<compile_context>
chip_gen: v7x
topology: tpu7x:2x2x1
jax: 0.10.2.dev20260603
libtpu: 0.0.44.dev20260713+nightly
codegen_flags: <defaults>
</compile_context>

<pallas_src>
import functools

import numpy as np

import jax
import jax.numpy as jnp
from jax import lax
from jax.experimental import pallas as pl
from jax.experimental.pallas import tpu as pltpu
from jax.experimental.pallas import tpu_sc as plsc

N = 10000
E = 320000
IN_D = 128
D = 64
CW = 16

NC, NS = 2, 16
NW = NC * NS
EPW = E // NW
CH = 80
NCHUNK = EPW // CH
NP = 10240
RD = 5
RPT = NP // NS

RB = 2048
PB = RB // 2
GRID = NP // RB
NPK = NP // 2

_ZROW = np.zeros((RPT, D), np.float32)

_MEXP = np.zeros((128, 512), np.float32)
for _r in range(4):
    _MEXP[32 * _r, 128 * _r:128 * _r + 64] = 1.0
    _MEXP[32 * _r + 16, 128 * _r + 64:128 * _r + 128] = 1.0
_ZCNT = np.zeros((RPT, CW), np.float32)
_ONES = np.ones((CH, CW), np.float32)


@functools.cache
def _mesh():
    return plsc.VectorSubcoreMesh(core_axis_name="c", subcore_axis_name="s")


def _sc_agg_body(with_cnt, *refs):
    if with_cnt:
        (table, ei, zrow, zcnt, ones,
         out_sum, out_cnt,
         srcs_v, dsts_v, ones_v) = refs[:10]
        rows = refs[10:10 + RD]
        acc_sh, cnt_sh = refs[10 + RD:12 + RD]
        sg = refs[12 + RD:12 + 2 * RD]
        ss = refs[12 + 2 * RD:12 + 3 * RD]
        scs = refs[12 + 3 * RD:12 + 4 * RD]
    else:
        (table, ei, zrow,
         out_sum,
         srcs_v, dsts_v) = refs[:6]
        rows = refs[6:6 + RD]
        acc_sh = refs[6 + RD]
        sg = refs[7 + RD:7 + 2 * RD]
        ss = refs[7 + 2 * RD:7 + 3 * RD]
        scs = None
    cid = lax.axis_index("c")
    sid = lax.axis_index("s")
    wid = cid * NS + sid
    r0 = sid * RPT
    hs = [pltpu.async_copy(zrow, acc_sh.at[pl.ds(r0, RPT)], sg[0]),
          pltpu.async_copy(ei.at[0, wid], srcs_v, sg[1]),
          pltpu.async_copy(ei.at[1, wid], dsts_v, sg[2])]
    if with_cnt:
        hs.append(pltpu.async_copy(zcnt, cnt_sh.at[pl.ds(r0, RPT)], sg[3]))
        hs.append(pltpu.async_copy(ones, ones_v, sg[4]))
    for h in hs:
        h.wait()
    plsc.subcore_barrier()

    def wait_scatter(b, c):
        pltpu.make_async_copy(rows[b], acc_sh.at[dsts_v.at[c]], ss[b]).wait()
        if with_cnt:
            pltpu.make_async_copy(ones_v, cnt_sh.at[dsts_v.at[c]], scs[b]).wait()

    pltpu.async_copy(table.at[srcs_v.at[0]], rows[0], sg[0])
    pltpu.async_copy(table.at[srcs_v.at[1]], rows[1], sg[1])
    pltpu.async_copy(table.at[srcs_v.at[2]], rows[2], sg[2])

    def ring(g, carry):
        for b in range(RD):
            c = g * RD + b

            def step(c=c, b=b):
                wait_scatter((b + 3) % RD, c)
                pltpu.async_copy(table.at[srcs_v.at[c + 3]],
                                 rows[(b + 3) % RD], sg[(b + 3) % RD])

            if b < 2:
                @pl.when(g >= 1)
                def _():
                    step()
                @pl.when(g == 0)
                def _():
                    pltpu.async_copy(table.at[srcs_v.at[c + 3]],
                                     rows[(b + 3) % RD], sg[(b + 3) % RD])
            else:
                @pl.when(g < (NCHUNK // RD) - 1)
                def _():
                    step()
                @pl.when(g == (NCHUNK // RD) - 1)
                def _():
                    wait_scatter((b + 3) % RD, c)
            if with_cnt:
                pltpu.async_copy(ones_v, cnt_sh.at[dsts_v.at[c]], scs[b], add=True)
            pltpu.make_async_copy(table.at[srcs_v.at[c]], rows[b], sg[b]).wait()
            pltpu.async_copy(rows[b], acc_sh.at[dsts_v.at[c]], ss[b], add=True)
        return carry

    lax.fori_loop(0, NCHUNK // RD, ring, 0)
    for c in (NCHUNK - 2, NCHUNK - 1):
        wait_scatter(c % RD, c)
    plsc.subcore_barrier()
    ho = [pltpu.async_copy(acc_sh.at[pl.ds(r0, RPT)],
                           out_sum.at[cid].at[pl.ds(r0, RPT)], sg[0])]
    if with_cnt:
        ho.append(pltpu.async_copy(cnt_sh.at[pl.ds(r0, RPT)],
                                   out_cnt.at[cid].at[pl.ds(r0, RPT)], sg[1]))
    for h in ho:
        h.wait()


@functools.cache
def _sc_agg1():
    return functools.partial(
        pl.kernel,
        mesh=_mesh(),
        compiler_params=pltpu.CompilerParams(use_tc_tiling_on_sc=False),
        out_type=(jax.ShapeDtypeStruct((NC, NP, D), jnp.float32),
                  jax.ShapeDtypeStruct((NC, NP, CW), jnp.float32)),
        scratch_types=(
            [pltpu.VMEM((NCHUNK, CH), jnp.int32),
             pltpu.VMEM((NCHUNK, CH), jnp.int32),
             pltpu.VMEM((CH, CW), jnp.float32)]
            + [pltpu.VMEM((CH, D), jnp.float32)] * RD
            + [pltpu.VMEM_SHARED((NP, D), jnp.float32),
               pltpu.VMEM_SHARED((NP, CW), jnp.float32)]
            + [pltpu.SemaphoreType.DMA] * (3 * RD)
        ),
    )(functools.partial(_sc_agg_body, True))


@functools.cache
def _sc_agg2():
    return functools.partial(
        pl.kernel,
        mesh=_mesh(),
        compiler_params=pltpu.CompilerParams(use_tc_tiling_on_sc=False),
        out_type=jax.ShapeDtypeStruct((NC, NP, D), jnp.float32),
        scratch_types=(
            [pltpu.VMEM((NCHUNK, CH), jnp.int32),
             pltpu.VMEM((NCHUNK, CH), jnp.int32)]
            + [pltpu.VMEM((CH, D), jnp.float32)] * RD
            + [pltpu.VMEM_SHARED((NP, D), jnp.float32)]
            + [pltpu.SemaphoreType.DMA] * (2 * RD)
        ),
    )(functools.partial(_sc_agg_body, False))


def _eo(v, n, w):
    v3 = v.reshape(n // 2, 2, w)
    return v3[:, 0, :], v3[:, 1, :]


def _pair_dot(ve, vo, w):
    return jnp.concatenate(
        [jnp.dot(ve, w, preferred_element_type=jnp.float32),
         jnp.dot(vo, w, preferred_element_type=jnp.float32)], axis=1)


def _proj_body(x_ref, wl_ref, wr_ref, p_ref, xr_ref):
    xe, xo = _eo(x_ref[...], RB, IN_D)
    p_ref[...] = _pair_dot(xe, xo, wl_ref[...])
    xr_ref[...] = _pair_dot(xe, xo, wr_ref[...])


_tc_proj = pl.pallas_call(
    _proj_body,
    grid=(GRID,),
    in_specs=[
        pl.BlockSpec((RB, IN_D), lambda i: (i, 0)),
        pl.BlockSpec((IN_D, D), lambda i: (0, 0)),
        pl.BlockSpec((IN_D, D), lambda i: (0, 0)),
    ],
    out_specs=[
        pl.BlockSpec((PB, 2 * D), lambda i: (i, 0)),
        pl.BlockSpec((PB, 2 * D), lambda i: (i, 0)),
    ],
    out_shape=[jax.ShapeDtypeStruct((NPK, 2 * D), jnp.float32)] * 2,
)


CB = RB // 8


def _mid_body(s_ref, c_ref, xr_ref, b_ref, wl2_ref, wr2_ref, me_ref,
              p2_ref, hr2_ref, invp_ref):
    csum = c_ref[0] + c_ref[1]
    inv = 1.0 / jnp.maximum(csum, 1.0)
    invp = jnp.dot(inv, me_ref[...],
                   preferred_element_type=jnp.float32).reshape(PB, 2 * D)
    invp_ref[...] = invp
    ssum = s_ref[0] + s_ref[1]
    h = jnp.maximum(ssum * invp + b_ref[...] + xr_ref[...], 0.0)
    p2_ref[...] = _pair_dot(h[:, :D], h[:, D:], wl2_ref[...])
    hr2_ref[...] = _pair_dot(h[:, :D], h[:, D:], wr2_ref[...])


_tc_mid = pl.pallas_call(
    _mid_body,
    grid=(GRID,),
    in_specs=[
        pl.BlockSpec((NC, PB, 2 * D), lambda i: (0, i, 0)),
        pl.BlockSpec((NC, CB, 128), lambda i: (0, i, 0)),
        pl.BlockSpec((PB, 2 * D), lambda i: (i, 0)),
        pl.BlockSpec((1, 2 * D), lambda i: (0, 0)),
        pl.BlockSpec((D, D), lambda i: (0, 0)),
        pl.BlockSpec((D, D), lambda i: (0, 0)),
        pl.BlockSpec((128, 512), lambda i: (0, 0)),
    ],
    out_specs=[
        pl.BlockSpec((PB, 2 * D), lambda i: (i, 0)),
        pl.BlockSpec((PB, 2 * D), lambda i: (i, 0)),
        pl.BlockSpec((PB, 2 * D), lambda i: (i, 0)),
    ],
    out_shape=[jax.ShapeDtypeStruct((NPK, 2 * D), jnp.float32)] * 3,
)


def _out_body(s_ref, invp_ref, hr_ref, b_ref, wc_ref, bc_ref, o_ref):
    ssum = s_ref[0] + s_ref[1]
    h2 = jnp.maximum(ssum * invp_ref[...] + b_ref[...] + hr_ref[...], 0.0)
    he = h2[:, :D]
    ho = h2[:, D:]
    o_ref[...] = _pair_dot(he, ho, wc_ref[...]) + bc_ref[...]


def _make_tc_out(out_dim):
    return pl.pallas_call(
        _out_body,
        grid=(GRID,),
        in_specs=[
            pl.BlockSpec((NC, PB, 2 * D), lambda i: (0, i, 0)),
            pl.BlockSpec((PB, 2 * D), lambda i: (i, 0)),
            pl.BlockSpec((PB, 2 * D), lambda i: (i, 0)),
            pl.BlockSpec((1, 2 * D), lambda i: (0, 0)),
            pl.BlockSpec((D, out_dim), lambda i: (0, 0)),
            pl.BlockSpec((1, 2 * out_dim), lambda i: (0, 0)),
        ],
        out_specs=pl.BlockSpec((PB, 2 * out_dim), lambda i: (i, 0)),
        out_shape=jax.ShapeDtypeStruct((NPK, 2 * out_dim), jnp.float32),
    )


def kernel(x, edge_index, W_l1, b_l1, W_r1, W_l2, b_l2, W_r2, W_c, b_c):
    if edge_index.dtype != jnp.int32:
        edge_index = edge_index.astype(jnp.int32)
    ei = edge_index.reshape(2, NW, NCHUNK, CH)

    b1p = jnp.concatenate([b_l1, b_l1]).reshape(1, 2 * D)
    b2p = jnp.concatenate([b_l2, b_l2]).reshape(1, 2 * D)
    bcp = jnp.concatenate([b_c, b_c]).reshape(1, -1)

    p1p, xr1p = _tc_proj(x, W_l1, W_r1)
    s1, c1 = _sc_agg1()(p1p.reshape(NP, D), ei, _ZROW, _ZCNT, _ONES)
    s1p = s1.reshape(NC, NPK, 2 * D)
    c1l = c1.reshape(NC, NP * CW // 128, 128)
    p2p, hr2p, invp = _tc_mid(s1p, c1l, xr1p, b1p, W_l2, W_r2, _MEXP)
    s2 = _sc_agg2()(p2p.reshape(NP, D), ei, _ZROW)
    s2p = s2.reshape(NC, NPK, 2 * D)
    outp = _make_tc_out(W_c.shape[1])(s2p, invp, hr2p, b2p, W_c, bcp)
    return outp.reshape(NP, -1)[:N]

# --- scband reference (transcript-rebuilt; emitter-appended) ---
"""Pipeline reference for scband-graph-sage-81226421502183 (READ-ONLY COPY).

The authoritative reference and input builder live on the scoring server;
editing this copy changes nothing except your own understanding.
"""

import jax, jax.numpy as jnp
import numpy as np

N_NODES = 10000
N_EDGES = 320000
IN_DIM = 128
HIDDEN = 64
OUT_DIM = 2


def _glorot(key, shape):
    fan_in, fan_out = shape[0], shape[1]
    limit = np.sqrt(6.0 / (fan_in + fan_out))
    return jax.random.uniform(key, shape, dtype=jnp.float32, minval=-limit, maxval=limit)


def setup_inputs(seed: int = 0) -> dict:
    key = jax.random.key(seed)
    ks = jax.random.split(key, 12)
    x = jax.random.normal(ks[0], (N_NODES, IN_DIM), dtype=jnp.float32)
    edge_index = jax.random.randint(ks[1], (2, N_EDGES), 0, N_NODES, dtype=jnp.int64)
    # SAGEConv layer 1: lin_l (applied to aggregated neighbors, with bias), lin_r (root, no bias)
    W_l1 = _glorot(ks[2], (IN_DIM, HIDDEN))
    b_l1 = jnp.zeros((HIDDEN,), dtype=jnp.float32)
    W_r1 = _glorot(ks[3], (IN_DIM, HIDDEN))
    # SAGEConv layer 2
    W_l2 = _glorot(ks[4], (HIDDEN, HIDDEN))
    b_l2 = jnp.zeros((HIDDEN,), dtype=jnp.float32)
    W_r2 = _glorot(ks[5], (HIDDEN, HIDDEN))
    # classifier
    W_c = _glorot(ks[6], (HIDDEN, OUT_DIM))
    b_c = jnp.zeros((OUT_DIM,), dtype=jnp.float32)
    return {"x": x, "edge_index": edge_index, "W_l1": W_l1, "b_l1": b_l1, "W_r1": W_r1,
            "W_l2": W_l2, "b_l2": b_l2, "W_r2": W_r2, "W_c": W_c, "b_c": b_c}


def _mean_aggregate(h, src, dst, n_nodes):
    msg = jnp.take(h, src, axis=0)                       # gather source features [E, d]
    summed = jax.ops.segment_sum(msg, dst, num_segments=n_nodes)
    ones = jnp.ones((src.shape[0], 1), dtype=h.dtype)
    cnt = jax.ops.segment_sum(ones, dst, num_segments=n_nodes)
    return summed / jnp.maximum(cnt, 1.0)


def reference(x, edge_index, W_l1, b_l1, W_r1, W_l2, b_l2, W_r2, W_c, b_c):
    src = edge_index[0]
    dst = edge_index[1]
    n = x.shape[0]
    # SAGEConv 1 (mean aggr): out = lin_l(mean_neigh) + lin_r(x)
    agg1 = _mean_aggregate(x, src, dst, n)
    h = agg1 @ W_l1 + b_l1 + x @ W_r1
    h = jax.nn.relu(h)
    # dropout is identity in eval mode
    # SAGEConv 2
    agg2 = _mean_aggregate(h, src, dst, n)
    h2 = agg2 @ W_l2 + b_l2 + h @ W_r2
    h2 = jax.nn.relu(h2)
    return h2 @ W_c + b_c

if __name__ == "__main__":
    import jax
    _d = setup_inputs()
    print(jax.jit(kernel)(*tuple(_d.values())))

</pallas_src>

<mosaic_0001>
#map = affine_map<(d0, d1) -> (0, 0)>
#map1 = affine_map<(d0, d1) -> (0, 0, 0, 0)>
#map2 = affine_map<(d0, d1) -> (0, 0, 0)>
module attributes {stable_mosaic.version = 14 : i64} {
  func.func @_sc_agg_body(%arg0: i32, %arg1: i32, %arg2: memref<10240x64xf32, #tpu.memory_space<hbm>>, %arg3: memref<2x32x125x80xi32, #tpu.memory_space<hbm>>, %arg4: memref<640x64xf32, #tpu.memory_space<hbm>>, %arg5: memref<2x10240x64xf32, #tpu.memory_space<hbm>>, %arg6: memref<125x80xi32, #tpu.memory_space<vmem>>, %arg7: memref<125x80xi32, #tpu.memory_space<vmem>>, %arg8: memref<80x64xf32, #tpu.memory_space<vmem>>, %arg9: memref<80x64xf32, #tpu.memory_space<vmem>>, %arg10: memref<80x64xf32, #tpu.memory_space<vmem>>, %arg11: memref<80x64xf32, #tpu.memory_space<vmem>>, %arg12: memref<80x64xf32, #tpu.memory_space<vmem>>, %arg13: memref<10240x64xf32, #tpu.memory_space<vmem_shared>>, %arg14: memref<!tpu.dma_semaphore, #tpu.memory_space<semaphore_mem>>, %arg15: memref<!tpu.dma_semaphore, #tpu.memory_space<semaphore_mem>>, %arg16: memref<!tpu.dma_semaphore, #tpu.memory_space<semaphore_mem>>, %arg17: memref<!tpu.dma_semaphore, #tpu.memory_space<semaphore_mem>>, %arg18: memref<!tpu.dma_semaphore, #tpu.memory_space<semaphore_mem>>, %arg19: memref<!tpu.dma_semaphore, #tpu.memory_space<semaphore_mem>>, %arg20: memref<!tpu.dma_semaphore, #tpu.memory_space<semaphore_mem>>, %arg21: memref<!tpu.dma_semaphore, #tpu.memory_space<semaphore_mem>>, %arg22: memref<!tpu.dma_semaphore, #tpu.memory_space<semaphore_mem>>, %arg23: memref<!tpu.dma_semaphore, #tpu.memory_space<semaphore_mem>>) attributes {dimension_semantics = [#tpu.dimension_semantics<core_parallel>, #tpu.dimension_semantics<subcore_parallel>], iteration_bounds = array<i64: 2, 16>, scalar_prefetch = 0 : i64, scratch_operands = 18 : i64, tpu.core_type = #tpu.core_type<sc_vector_subcore>, window_params = [{transform_indices = #map}, {transform_indices = #map1}, {transform_indices = #map}, {transform_indices = #map2}]} {
    %mul3A = arith.constant 16 : i32
    %mul3A_0 = arith.muli %arg0, %mul3A : i32
    %add3A = arith.addi %mul3A_0, %arg1 : i32
    %mul3A_1 = arith.constant 640 : i32
    %mul3A_2 = arith.muli %arg1, %mul3A_1 : i32
    %dma_start3A = arith.constant 0 : i32
    %dma_start3A_3 = tpu.memref_slice %arg13[%mul3A_2, %dma_start3A] : memref<10240x64xf32, #tpu.memory_space<vmem_shared>> -> memref<640x64xf32, #tpu.memory_space<vmem_shared>>
    tpu.enqueue_dma source(%arg4 : memref<640x64xf32, #tpu.memory_space<hbm>>) target(%dma_start3A_3 : memref<640x64xf32, #tpu.memory_space<vmem_shared>>) target_semaphore(%arg14 : memref<!tpu.dma_semaphore, #tpu.memory_space<semaphore_mem>>)
    %dma_start3A_4 = arith.constant 0 : i32
    %dma_start3A_5 = arith.constant 0 : i32
    %dma_start3A_6 = arith.constant 0 : i32
    %dma_start3A_7 = tpu.memref_slice %arg3[%dma_start3A_4, %add3A, %dma_start3A_5, %dma_start3A_6] : memref<2x32x125x80xi32, #tpu.memory_space<hbm>> -> memref<1x1x125x80xi32, #tpu.memory_space<hbm>>
    %dma_start3A_8 = tpu.memref_squeeze %dma_start3A_7 : memref<1x1x125x80xi32, #tpu.memory_space<hbm>> -> memref<125x80xi32, #tpu.memory_space<hbm>>
    %dma_start3A_9 = arith.constant 0 : i32
    %dma_start3A_10 = arith.constant 0 : i32
    %dma_start3A_11 = tpu.memref_slice %arg3[%dma_start3A_4, %add3A, %dma_start3A_9, %dma_start3A_10] : memref<2x32x125x80xi32, #tpu.memory_space<hbm>> -> memref<1x1x125x80xi32, #tpu.memory_space<hbm>>
    %dma_start3A_12 = tpu.memref_squeeze %dma_start3A_11 : memref<1x1x125x80xi32, #tpu.memory_space<hbm>> -> memref<125x80xi32, #tpu.memory_space<hbm>>
    tpu.enqueue_dma source(%dma_start3A_12 : memref<125x80xi32, #tpu.memory_space<hbm>>) target(%arg6 : memref<125x80xi32, #tpu.memory_space<vmem>>) target_semaphore(%arg15 : memref<!tpu.dma_semaphore, #tpu.memory_space<semaphore_mem>>)
    %dma_start3A_13 = arith.constant 1 : i32
    %dma_start3A_14 = arith.constant 0 : i32
    %dma_start3A_15 = arith.constant 0 : i32
    %dma_start3A_16 = tpu.memref_slice %arg3[%dma_start3A_13, %add3A, %dma_start3A_14, %dma_start3A_15] : memref<2x32x125x80xi32, #tpu.memory_space<hbm>> -> memref<1x1x125x80xi32, #tpu.memory_space<hbm>>
    %dma_start3A_17 = tpu.memref_squeeze %dma_start3A_16 : memref<1x1x125x80xi32, #tpu.memory_space<hbm>> -> memref<125x80xi32, #tpu.memory_space<hbm>>
    %dma_start3A_18 = arith.constant 0 : i32
    %dma_start3A_19 = arith.constant 0 : i32
    %dma_start3A_20 = tpu.memref_slice %arg3[%dma_start3A_13, %add3A, %dma_start3A_18, %dma_start3A_19] : memref<2x32x125x80xi32, #tpu.memory_space<hbm>> -> memref<1x1x125x80xi32, #tpu.memory_space<hbm>>
    %dma_start3A_21 = tpu.memref_squeeze %dma_start3A_20 : memref<1x1x125x80xi32, #tpu.memory_space<hbm>> -> memref<125x80xi32, #tpu.memory_space<hbm>>
    tpu.enqueue_dma source(%dma_start3A_21 : memref<125x80xi32, #tpu.memory_space<hbm>>) target(%arg7 : memref<125x80xi32, #tpu.memory_space<vmem>>) target_semaphore(%arg16 : memref<!tpu.dma_semaphore, #tpu.memory_space<semaphore_mem>>)
    %dma_wait3A = arith.constant 0 : i32
    %dma_wait3A_22 = tpu.memref_slice %arg13[%mul3A_2, %dma_wait3A] : memref<10240x64xf32, #tpu.memory_space<vmem_shared>> -> memref<640x64xf32, #tpu.memory_space<vmem_shared>>
    tpu.wait_dma2 semaphore(%arg14 : memref<!tpu.dma_semaphore, #tpu.memory_space<semaphore_mem>>) src(%arg4 : memref<640x64xf32, #tpu.memory_space<hbm>>) dst(%dma_wait3A_22 : memref<640x64xf32, #tpu.memory_space<vmem_shared>>)
    %dma_wait3A_23 = arith.constant 0 : i32
    %dma_wait3A_24 = arith.constant 0 : i32
    %dma_wait3A_25 = arith.constant 0 : i32
    %dma_wait3A_26 = tpu.memref_slice %arg3[%dma_wait3A_23, %add3A, %dma_wait3A_24, %dma_wait3A_25] : memref<2x32x125x80xi32, #tpu.memory_space<hbm>> -> memref<1x1x125x80xi32, #tpu.memory_space<hbm>>
    %dma_wait3A_27 = tpu.memref_squeeze %dma_wait3A_26 : memref<1x1x125x80xi32, #tpu.memory_space<hbm>> -> memref<125x80xi32, #tpu.memory_space<hbm>>
    %dma_wait3A_28 = arith.constant 0 : i32
    %dma_wait3A_29 = arith.constant 0 : i32
    %dma_wait3A_30 = tpu.memref_slice %arg3[%dma_wait3A_23, %add3A, %dma_wait3A_28, %dma_wait3A_29] : memref<2x32x125x80xi32, #tpu.memory_space<hbm>> -> memref<1x1x125x80xi32, #tpu.memory_space<hbm>>
    %dma_wait3A_31 = tpu.memref_squeeze %dma_wait3A_30 : memref<1x1x125x80xi32, #tpu.memory_space<hbm>> -> memref<125x80xi32, #tpu.memory_space<hbm>>
    tpu.wait_dma2 semaphore(%arg15 : memref<!tpu.dma_semaphore, #tpu.memory_space<semaphore_mem>>) src(%dma_wait3A_31 : memref<125x80xi32, #tpu.memory_space<hbm>>) dst(%arg6 : memref<125x80xi32, #tpu.memory_space<vmem>>)
    %dma_wait3A_32 = arith.constant 1 : i32
    %dma_wait3A_33 = arith.constant 0 : i32
    %dma_wait3A_34 = arith.constant 0 : i32
    %dma_wait3A_35 = tpu.memref_slice %arg3[%dma_wait3A_32, %add3A, %dma_wait3A_33, %dma_wait3A_34] : memref<2x32x125x80xi32, #tpu.memory_space<hbm>> -> memref<1x1x125x80xi32, #tpu.memory_space<hbm>>
    %dma_wait3A_36 = tpu.memref_squeeze %dma_wait3A_35 : memref<1x1x125x80xi32, #tpu.memory_space<hbm>> -> memref<125x80xi32, #tpu.memory_space<hbm>>
    %dma_wait3A_37 = arith.constant 0 : i32
    %dma_wait3A_38 = arith.constant 0 : i32
    %dma_wait3A_39 = tpu.memref_slice %arg3[%dma_wait3A_32, %add3A, %dma_wait3A_37, %dma_wait3A_38] : memref<2x32x125x80xi32, #tpu.memory_space<hbm>> -> memref<1x1x125x80xi32, #tpu.memory_space<hbm>>
    %dma_wait3A_40 = tpu.memref_squeeze %dma_wait3A_39 : memref<1x1x125x80xi32, #tpu.memory_space<hbm>> -> memref<125x80xi32, #tpu.memory_space<hbm>>
    tpu.wait_dma2 semaphore(%arg16 : memref<!tpu.dma_semaphore, #tpu.memory_space<semaphore_mem>>) src(%dma_wait3A_40 : memref<125x80xi32, #tpu.memory_space<hbm>>) dst(%arg7 : memref<125x80xi32, #tpu.memory_space<vmem>>)
    %barrier3A = arith.constant 0 : index
    tpu.barrier barrier_id(%barrier3A)
    %dma_start3A_41 = arith.constant 0 : i32
    %dma_start3A_42 = arith.constant 0 : i32
    %dma_start3A_43 = tpu.memref_slice %arg6[%dma_start3A_41, %dma_start3A_42] : memref<125x80xi32, #tpu.memory_space<vmem>> -> memref<1x80xi32, #tpu.memory_space<vmem>>
    %dma_start3A_44 = tpu.memref_squeeze %dma_start3A_43 : memref<1x80xi32, #tpu.memory_space<vmem>> -> memref<80xi32, #tpu.memory_space<vmem>>
    %dma_start3A_45 = arith.constant 0 : i32
    %dma_start3A_46 = arith.constant 0 : i32
    %dma_start3A_47 = tpu.memref_slice %arg2[%dma_start3A_45, %dma_start3A_46] : memref<10240x64xf32, #tpu.memory_space<hbm>> -> memref<10240x64xf32, #tpu.memory_space<hbm>>
    tpu.enqueue_indirect_dma source(%dma_start3A_47 : memref<10240x64xf32, #tpu.memory_space<hbm>>) target(%arg8 : memref<80x64xf32, #tpu.memory_space<vmem>>) offsets(%dma_start3A_44 : memref<80xi32, #tpu.memory_space<vmem>>) semaphore(%arg14 : memref<!tpu.dma_semaphore, #tpu.memory_space<semaphore_mem>>)
    %dma_start3A_48 = arith.constant 1 : i32
    %dma_start3A_49 = arith.constant 0 : i32
    %dma_start3A_50 = tpu.memref_slice %arg6[%dma_start3A_48, %dma_start3A_49] : memref<125x80xi32, #tpu.memory_space<vmem>> -> memref<1x80xi32, #tpu.memory_space<vmem>>
    %dma_start3A_51 = tpu.memref_squeeze %dma_start3A_50 : memref<1x80xi32, #tpu.memory_space<vmem>> -> memref<80xi32, #tpu.memory_space<vmem>>
    %dma_start3A_52 = arith.constant 0 : i32
    %dma_start3A_53 = arith.constant 0 : i32
    %dma_start3A_54 = tpu.memref_slice %arg2[%dma_start3A_52, %dma_start3A_53] : memref<10240x64xf32, #tpu.memory_space<hbm>> -> memref<10240x64xf32, #tpu.memory_space<hbm>>
    tpu.enqueue_indirect_dma source(%dma_start3A_54 : memref<10240x64xf32, #tpu.memory_space<hbm>>) target(%arg9 : memref<80x64xf32, #tpu.memory_space<vmem>>) offsets(%dma_start3A_51 : memref<80xi32, #tpu.memory_space<vmem>>) semaphore(%arg15 : memref<!tpu.dma_semaphore, #tpu.memory_space<semaphore_mem>>)
    %dma_start3A_55 = arith.constant 2 : i32
    %dma_start3A_56 = arith.constant 0 : i32
    %dma_start3A_57 = tpu.memref_slice %arg6[%dma_start3A_55, %dma_start3A_56] : memref<125x80xi32, #tpu.memory_space<vmem>> -> memref<1x80xi32, #tpu.memory_space<vmem>>
    %dma_start3A_58 = tpu.memref_squeeze %dma_start3A_57 : memref<1x80xi32, #tpu.memory_space<vmem>> -> memref<80xi32, #tpu.memory_space<vmem>>
    %dma_start3A_59 = arith.constant 0 : i32
    %dma_start3A_60 = arith.constant 0 : i32
    %dma_start3A_61 = tpu.memref_slice %arg2[%dma_start3A_59, %dma_start3A_60] : memref<10240x64xf32, #tpu.memory_space<hbm>> -> memref<10240x64xf32, #tpu.memory_space<hbm>>
    tpu.enqueue_indirect_dma source(%dma_start3A_61 : memref<10240x64xf32, #tpu.memory_space<hbm>>) target(%arg10 : memref<80x64xf32, #tpu.memory_space<vmem>>) offsets(%dma_start3A_58 : memref<80xi32, #tpu.memory_space<vmem>>) semaphore(%arg16 : memref<!tpu.dma_semaphore, #tpu.memory_space<semaphore_mem>>)
    %scan3A = arith.constant 0 : i32
    %scan3A_62 = arith.constant 0 : i32
    %scan3A_63 = arith.constant 25 : i32
    %scan3A_64 = arith.addi %scan3A_62, %scan3A_63 : i32
    %scan3A_65 = arith.constant 1 : i32
    scf.for %scan3A_98 = %scan3A_62 to %scan3A_64 step %scan3A_65  : i32 {
      %mul3A_99 = arith.constant 5 : i32
      %mul3A_100 = arith.muli %scan3A_98, %mul3A_99 : i32
      %add3A_101 = arith.constant 0 : i32
      %add3A_102 = arith.addi %mul3A_100, %add3A_101 : i32
      %ge3A = arith.constant 1 : i32
      %ge3A_103 = arith.cmpi sge, %scan3A_98, %ge3A : i32
      %convert_element_type3A = arith.extui %ge3A_103 : i1 to i32
      %cond3A = arith.constant 0 : i32
      %cond3A_104 = arith.cmpi ne, %convert_element_type3A, %cond3A : i32
      scf.if %cond3A_104 {
        %dma_wait3A_224 = arith.constant 0 : i32
        %dma_wait3A_225 = tpu.memref_slice %arg7[%add3A_102, %dma_wait3A_224] : memref<125x80xi32, #tpu.memory_space<vmem>> -> memref<1x80xi32, #tpu.memory_space<vmem>>
        %dma_wait3A_226 = tpu.memref_squeeze %dma_wait3A_225 : memref<1x80xi32, #tpu.memory_space<vmem>> -> memref<80xi32, #tpu.memory_space<vmem>>
        %dma_wait3A_227 = arith.constant 0 : i32
        %dma_wait3A_228 = arith.constant 0 : i32
        %dma_wait3A_229 = tpu.memref_slice %arg13[%dma_wait3A_227, %dma_wait3A_228] : memref<10240x64xf32, #tpu.memory_space<vmem_shared>> -> memref<10240x64xf32, #tpu.memory_space<vmem_shared>>
        tpu.wait_indirect_dma semaphore(%arg22 : memref<!tpu.dma_semaphore, #tpu.memory_space<semaphore_mem>>) src(%arg11 : memref<80x64xf32, #tpu.memory_space<vmem>>) dst(%dma_wait3A_229 : memref<10240x64xf32, #tpu.memory_space<vmem_shared>>)
        %add3A_230 = arith.constant 3 : i32
        %add3A_231 = arith.addi %add3A_102, %add3A_230 : i32
        %dma_start3A_232 = arith.constant 0 : i32
        %dma_start3A_233 = tpu.memref_slice %arg6[%add3A_231, %dma_start3A_232] : memref<125x80xi32, #tpu.memory_space<vmem>> -> memref<1x80xi32, #tpu.memory_space<vmem>>
        %dma_start3A_234 = tpu.memref_squeeze %dma_start3A_233 : memref<1x80xi32, #tpu.memory_space<vmem>> -> memref<80xi32, #tpu.memory_space<vmem>>
        %dma_start3A_235 = arith.constant 0 : i32
        %dma_start3A_236 = arith.constant 0 : i32
        %dma_start3A_237 = tpu.memref_slice %arg2[%dma_start3A_235, %dma_start3A_236] : memref<10240x64xf32, #tpu.memory_space<hbm>> -> memref<10240x64xf32, #tpu.memory_space<hbm>>
        tpu.enqueue_indirect_dma source(%dma_start3A_237 : memref<10240x64xf32, #tpu.memory_space<hbm>>) target(%arg11 : memref<80x64xf32, #tpu.memory_space<vmem>>) offsets(%dma_start3A_234 : memref<80xi32, #tpu.memory_space<vmem>>) semaphore(%arg17 : memref<!tpu.dma_semaphore, #tpu.memory_space<semaphore_mem>>)
      } else {
      }
      %eq3A = arith.constant 0 : i32
      %eq3A_105 = arith.cmpi eq, %scan3A_98, %eq3A : i32
      %convert_element_type3A_106 = arith.extui %eq3A_105 : i1 to i32
      %cond3A_107 = arith.constant 0 : i32
      %cond3A_108 = arith.cmpi ne, %convert_element_type3A_106, %cond3A_107 : i32
      scf.if %cond3A_108 {
        %add3A_224 = arith.constant 3 : i32
        %add3A_225 = arith.addi %add3A_102, %add3A_224 : i32
        %dma_start3A_226 = arith.constant 0 : i32
        %dma_start3A_227 = tpu.memref_slice %arg6[%add3A_225, %dma_start3A_226] : memref<125x80xi32, #tpu.memory_space<vmem>> -> memref<1x80xi32, #tpu.memory_space<vmem>>
        %dma_start3A_228 = tpu.memref_squeeze %dma_start3A_227 : memref<1x80xi32, #tpu.memory_space<vmem>> -> memref<80xi32, #tpu.memory_space<vmem>>
        %dma_start3A_229 = arith.constant 0 : i32
        %dma_start3A_230 = arith.constant 0 : i32
        %dma_start3A_231 = tpu.memref_slice %arg2[%dma_start3A_229, %dma_start3A_230] : memref<10240x64xf32, #tpu.memory_space<hbm>> -> memref<10240x64xf32, #tpu.memory_space<hbm>>
        tpu.enqueue_indirect_dma source(%dma_start3A_231 : memref<10240x64xf32, #tpu.memory_space<hbm>>) target(%arg11 : memref<80x64xf32, #tpu.memory_space<vmem>>) offsets(%dma_start3A_228 : memref<80xi32, #tpu.memory_space<vmem>>) semaphore(%arg17 : memref<!tpu.dma_semaphore, #tpu.memory_space<semaphore_mem>>)
      } else {
      }
      %dma_wait3A_109 = arith.constant 0 : i32
      %dma_wait3A_110 = tpu.memref_slice %arg6[%add3A_102, %dma_wait3A_109] : memref<125x80xi32, #tpu.memory_space<vmem>> -> memref<1x80xi32, #tpu.memory_space<vmem>>
      %dma_wait3A_111 = tpu.memref_squeeze %dma_wait3A_110 : memref<1x80xi32, #tpu.memory_space<vmem>> -> memref<80xi32, #tpu.memory_space<vmem>>
      %dma_wait3A_112 = arith.constant 0 : i32
      %dma_wait3A_113 = arith.constant 0 : i32
      %dma_wait3A_114 = tpu.memref_slice %arg2[%dma_wait3A_112, %dma_wait3A_113] : memref<10240x64xf32, #tpu.memory_space<hbm>> -> memref<10240x64xf32, #tpu.memory_space<hbm>>
      tpu.wait_indirect_dma semaphore(%arg14 : memref<!tpu.dma_semaphore, #tpu.memory_space<semaphore_mem>>) src(%dma_wait3A_114 : memref<10240x64xf32, #tpu.memory_space<hbm>>) dst(%arg8 : memref<80x64xf32, #tpu.memory_space<vmem>>)
      %dma_start3A_115 = arith.constant 0 : i32
      %dma_start3A_116 = tpu.memref_slice %arg7[%add3A_102, %dma_start3A_115] : memref<125x80xi32, #tpu.memory_space<vmem>> -> memref<1x80xi32, #tpu.memory_space<vmem>>
      %dma_start3A_117 = tpu.memref_squeeze %dma_start3A_116 : memref<1x80xi32, #tpu.memory_space<vmem>> -> memref<80xi32, #tpu.memory_space<vmem>>
      %dma_start3A_118 = arith.constant 0 : i32
      %dma_start3A_119 = arith.constant 0 : i32
      %dma_start3A_120 = tpu.memref_slice %arg13[%dma_start3A_118, %dma_start3A_119] : memref<10240x64xf32, #tpu.memory_space<vmem_shared>> -> memref<10240x64xf32, #tpu.memory_space<vmem_shared>>
      tpu.enqueue_indirect_dma source(%arg8 : memref<80x64xf32, #tpu.memory_space<vmem>>) target(%dma_start3A_120 : memref<10240x64xf32, #tpu.memory_space<vmem_shared>>) offsets(%dma_start3A_117 : memref<80xi32, #tpu.memory_space<vmem>>) semaphore(%arg19 : memref<!tpu.dma_semaphore, #tpu.memory_space<semaphore_mem>>) {add = true}
      %mul3A_121 = arith.constant 5 : i32
      %mul3A_122 = arith.muli %scan3A_98, %mul3A_121 : i32
      %add3A_123 = arith.constant 1 : i32
      %add3A_124 = arith.addi %mul3A_122, %add3A_123 : i32
      %ge3A_125 = arith.constant 1 : i32
      %ge3A_126 = arith.cmpi sge, %scan3A_98, %ge3A_125 : i32
      %convert_element_type3A_127 = arith.extui %ge3A_126 : i1 to i32
      %cond3A_128 = arith.constant 0 : i32
      %cond3A_129 = arith.cmpi ne, %convert_element_type3A_127, %cond3A_128 : i32
      scf.if %cond3A_129 {
        %dma_wait3A_224 = arith.constant 0 : i32
        %dma_wait3A_225 = tpu.memref_slice %arg7[%add3A_124, %dma_wait3A_224] : memref<125x80xi32, #tpu.memory_space<vmem>> -> memref<1x80xi32, #tpu.memory_space<vmem>>
        %dma_wait3A_226 = tpu.memref_squeeze %dma_wait3A_225 : memref<1x80xi32, #tpu.memory_space<vmem>> -> memref<80xi32, #tpu.memory_space<vmem>>
        %dma_wait3A_227 = arith.constant 0 : i32
        %dma_wait3A_228 = arith.constant 0 : i32
        %dma_wait3A_229 = tpu.memref_slice %arg13[%dma_wait3A_227, %dma_wait3A_228] : memref<10240x64xf32, #tpu.memory_space<vmem_shared>> -> memref<10240x64xf32, #tpu.memory_space<vmem_shared>>
        tpu.wait_indirect_dma semaphore(%arg23 : memref<!tpu.dma_semaphore, #tpu.memory_space<semaphore_mem>>) src(%arg12 : memref<80x64xf32, #tpu.memory_space<vmem>>) dst(%dma_wait3A_229 : memref<10240x64xf32, #tpu.memory_space<vmem_shared>>)
        %add3A_230 = arith.constant 3 : i32
        %add3A_231 = arith.addi %add3A_124, %add3A_230 : i32
        %dma_start3A_232 = arith.constant 0 : i32
        %dma_start3A_233 = tpu.memref_slice %arg6[%add3A_231, %dma_start3A_232] : memref<125x80xi32, #tpu.memory_space<vmem>> -> memref<1x80xi32, #tpu.memory_space<vmem>>
        %dma_start3A_234 = tpu.memref_squeeze %dma_start3A_233 : memref<1x80xi32, #tpu.memory_space<vmem>> -> memref<80xi32, #tpu.memory_space<vmem>>
        %dma_start3A_235 = arith.constant 0 : i32
        %dma_start3A_236 = arith.constant 0 : i32
        %dma_start3A_237 = tpu.memref_slice %arg2[%dma_start3A_235, %dma_start3A_236] : memref<10240x64xf32, #tpu.memory_space<hbm>> -> memref<10240x64xf32, #tpu.memory_space<hbm>>
        tpu.enqueue_indirect_dma source(%dma_start3A_237 : memref<10240x64xf32, #tpu.memory_space<hbm>>) target(%arg12 : memref<80x64xf32, #tpu.memory_space<vmem>>) offsets(%dma_start3A_234 : memref<80xi32, #tpu.memory_space<vmem>>) semaphore(%arg18 : memref<!tpu.dma_semaphore, #tpu.memory_space<semaphore_mem>>)
      } else {
      }
      %eq3A_130 = arith.constant 0 : i32
      %eq3A_131 = arith.cmpi eq, %scan3A_98, %eq3A_130 : i32
      %convert_element_type3A_132 = arith.extui %eq3A_131 : i1 to i32
      %cond3A_133 = arith.constant 0 : i32
      %cond3A_134 = arith.cmpi ne, %convert_element_type3A_132, %cond3A_133 : i32
      scf.if %cond3A_134 {
        %add3A_224 = arith.constant 3 : i32
        %add3A_225 = arith.addi %add3A_124, %add3A_224 : i32
        %dma_start3A_226 = arith.constant 0 : i32
        %dma_start3A_227 = tpu.memref_slice %arg6[%add3A_225, %dma_start3A_226] : memref<125x80xi32, #tpu.memory_space<vmem>> -> memref<1x80xi32, #tpu.memory_space<vmem>>
        %dma_start3A_228 = tpu.memref_squeeze %dma_start3A_227 : memref<1x80xi32, #tpu.memory_space<vmem>> -> memref<80xi32, #tpu.memory_space<vmem>>
        %dma_start3A_229 = arith.constant 0 : i32
        %dma_start3A_230 = arith.constant 0 : i32
        %dma_start3A_231 = tpu.memref_slice %arg2[%dma_start3A_229, %dma_start3A_230] : memref<10240x64xf32, #tpu.memory_space<hbm>> -> memref<10240x64xf32, #tpu.memory_space<hbm>>
        tpu.enqueue_indirect_dma source(%dma_start3A_231 : memref<10240x64xf32, #tpu.memory_space<hbm>>) target(%arg12 : memref<80x64xf32, #tpu.memory_space<vmem>>) offsets(%dma_start3A_228 : memref<80xi32, #tpu.memory_space<vmem>>) semaphore(%arg18 : memref<!tpu.dma_semaphore, #tpu.memory_space<semaphore_mem>>)
      } else {
      }
      %dma_wait3A_135 = arith.constant 0 : i32
      %dma_wait3A_136 = tpu.memref_slice %arg6[%add3A_124, %dma_wait3A_135] : memref<125x80xi32, #tpu.memory_space<vmem>> -> memref<1x80xi32, #tpu.memory_space<vmem>>
      %dma_wait3A_137 = tpu.memref_squeeze %dma_wait3A_136 : memref<1x80xi32, #tpu.memory_space<vmem>> -> memref<80xi32, #tpu.memory_space<vmem>>
      %dma_wait3A_138 = arith.constant 0 : i32
      %dma_wait3A_139 = arith.constant 0 : i32
      %dma_wait3A_140 = tpu.memref_slice %arg2[%dma_wait3A_138, %dma_wait3A_139] : memref<10240x64xf32, #tpu.memory_space<hbm>> -> memref<10240x64xf32, #tpu.memory_space<hbm>>
      tpu.wait_indirect_dma semaphore(%arg15 : memref<!tpu.dma_semaphore, #tpu.memory_space<semaphore_mem>>) src(%dma_wait3A_140 : memref<10240x64xf32, #tpu.memory_space<hbm>>) dst(%arg9 : memref<80x64xf32, #tpu.memory_space<vmem>>)
      %dma_start3A_141 = arith.constant 0 : i32
      %dma_start3A_142 = tpu.memref_slice %arg7[%add3A_124, %dma_start3A_141] : memref<125x80xi32, #tpu.memory_space<vmem>> -> memref<1x80xi32, #tpu.memory_space<vmem>>
      %dma_start3A_143 = tpu.memref_squeeze %dma_start3A_142 : memref<1x80xi32, #tpu.memory_space<vmem>> -> memref<80xi32, #tpu.memory_space<vmem>>
      %dma_start3A_144 = arith.constant 0 : i32
      %dma_start3A_145 = arith.constant 0 : i32
      %dma_start3A_146 = tpu.memref_slice %arg13[%dma_start3A_144, %dma_start3A_145] : memref<10240x64xf32, #tpu.memory_space<vmem_shared>> -> memref<10240x64xf32, #tpu.memory_space<vmem_shared>>
      tpu.enqueue_indirect_dma source(%arg9 : memref<80x64xf32, #tpu.memory_space<vmem>>) target(%dma_start3A_146 : memref<10240x64xf32, #tpu.memory_space<vmem_shared>>) offsets(%dma_start3A_143 : memref<80xi32, #tpu.memory_space<vmem>>) semaphore(%arg20 : memref<!tpu.dma_semaphore, #tpu.memory_space<semaphore_mem>>) {add = true}
      %mul3A_147 = arith.constant 5 : i32
      %mul3A_148 = arith.muli %scan3A_98, %mul3A_147 : i32
      %add3A_149 = arith.constant 2 : i32
      %add3A_150 = arith.addi %mul3A_148, %add3A_149 : i32
      %lt3A = arith.constant 24 : i32
      %lt3A_151 = arith.cmpi slt, %scan3A_98, %lt3A : i32
      %convert_element_type3A_152 = arith.extui %lt3A_151 : i1 to i32
      %cond3A_153 = arith.constant 0 : i32
      %cond3A_154 = arith.cmpi ne, %convert_element_type3A_152, %cond3A_153 : i32
      scf.if %cond3A_154 {
        %dma_wait3A_224 = arith.constant 0 : i32
        %dma_wait3A_225 = tpu.memref_slice %arg7[%add3A_150, %dma_wait3A_224] : memref<125x80xi32, #tpu.memory_space<vmem>> -> memref<1x80xi32, #tpu.memory_space<vmem>>
        %dma_wait3A_226 = tpu.memref_squeeze %dma_wait3A_225 : memref<1x80xi32, #tpu.memory_space<vmem>> -> memref<80xi32, #tpu.memory_space<vmem>>
        %dma_wait3A_227 = arith.constant 0 : i32
        %dma_wait3A_228 = arith.constant 0 : i32
        %dma_wait3A_229 = tpu.memref_slice %arg13[%dma_wait3A_227, %dma_wait3A_228] : memref<10240x64xf32, #tpu.memory_space<vmem_shared>> -> memref<10240x64xf32, #tpu.memory_space<vmem_shared>>
        tpu.wait_indirect_dma semaphore(%arg19 : memref<!tpu.dma_semaphore, #tpu.memory_space<semaphore_mem>>) src(%arg8 : memref<80x64xf32, #tpu.memory_space<vmem>>) dst(%dma_wait3A_229 : memref<10240x64xf32, #tpu.memory_space<vmem_shared>>)
        %add3A_230 = arith.constant 3 : i32
        %add3A_231 = arith.addi %add3A_150, %add3A_230 : i32
        %dma_start3A_232 = arith.constant 0 : i32
        %dma_start3A_233 = tpu.memref_slice %arg6[%add3A_231, %dma_start3A_232] : memref<125x80xi32, #tpu.memory_space<vmem>> -> memref<1x80xi32, #tpu.memory_space<vmem>>
        %dma_start3A_234 = tpu.memref_squeeze %dma_start3A_233 : memref<1x80xi32, #tpu.memory_space<vmem>> -> memref<80xi32, #tpu.memory_space<vmem>>
        %dma_start3A_235 = arith.constant 0 : i32
        %dma_start3A_236 = arith.constant 0 : i32
        %dma_start3A_237 = tpu.memref_slice %arg2[%dma_start3A_235, %dma_start3A_236] : memref<10240x64xf32, #tpu.memory_space<hbm>> -> memref<10240x64xf32, #tpu.memory_space<hbm>>
        tpu.enqueue_indirect_dma source(%dma_start3A_237 : memref<10240x64xf32, #tpu.memory_space<hbm>>) target(%arg8 : memref<80x64xf32, #tpu.memory_space<vmem>>) offsets(%dma_start3A_234 : memref<80xi32, #tpu.memory_space<vmem>>) semaphore(%arg14 : memref<!tpu.dma_semaphore, #tpu.memory_space<semaphore_mem>>)
      } else {
      }
      %eq3A_155 = arith.constant 24 : i32
      %eq3A_156 = arith.cmpi eq, %scan3A_98, %eq3A_155 : i32
      %convert_element_type3A_157 = arith.extui %eq3A_156 : i1 to i32
      %cond3A_158 = arith.constant 0 : i32
      %cond3A_159 = arith.cmpi ne, %convert_element_type3A_157, %cond3A_158 : i32
      scf.if %cond3A_159 {
        %dma_wait3A_224 = arith.constant 0 : i32
        %dma_wait3A_225 = tpu.memref_slice %arg7[%add3A_150, %dma_wait3A_224] : memref<125x80xi32, #tpu.memory_space<vmem>> -> memref<1x80xi32, #tpu.memory_space<vmem>>
        %dma_wait3A_226 = tpu.memref_squeeze %dma_wait3A_225 : memref<1x80xi32, #tpu.memory_space<vmem>> -> memref<80xi32, #tpu.memory_space<vmem>>
        %dma_wait3A_227 = arith.constant 0 : i32
        %dma_wait3A_228 = arith.constant 0 : i32
        %dma_wait3A_229 = tpu.memref_slice %arg13[%dma_wait3A_227, %dma_wait3A_228] : memref<10240x64xf32, #tpu.memory_space<vmem_shared>> -> memref<10240x64xf32, #tpu.memory_space<vmem_shared>>
        tpu.wait_indirect_dma semaphore(%arg19 : memref<!tpu.dma_semaphore, #tpu.memory_space<semaphore_mem>>) src(%arg8 : memref<80x64xf32, #tpu.memory_space<vmem>>) dst(%dma_wait3A_229 : memref<10240x64xf32, #tpu.memory_space<vmem_shared>>)
      } else {
      }
      %dma_wait3A_160 = arith.constant 0 : i32
      %dma_wait3A_161 = tpu.memref_slice %arg6[%add3A_150, %dma_wait3A_160] : memref<125x80xi32, #tpu.memory_space<vmem>> -> memref<1x80xi32, #tpu.memory_space<vmem>>
      %dma_wait3A_162 = tpu.memref_squeeze %dma_wait3A_161 : memref<1x80xi32, #tpu.memory_space<vmem>> -> memref<80xi32, #tpu.memory_space<vmem>>
      %dma_wait3A_163 = arith.constant 0 : i32
      %dma_wait3A_164 = arith.constant 0 : i32
      %dma_wait3A_165 = tpu.memref_slice %arg2[%dma_wait3A_163, %dma_wait3A_164] : memref<10240x64xf32, #tpu.memory_space<hbm>> -> memref<10240x64xf32, #tpu.memory_space<hbm>>
      tpu.wait_indirect_dma semaphore(%arg16 : memref<!tpu.dma_semaphore, #tpu.memory_space<semaphore_mem>>) src(%dma_wait3A_165 : memref<10240x64xf32, #tpu.memory_space<hbm>>) dst(%arg10 : memref<80x64xf32, #tpu.memory_space<vmem>>)
      %dma_start3A_166 = arith.constant 0 : i32
      %dma_start3A_167 = tpu.memref_slice %arg7[%add3A_150, %dma_start3A_166] : memref<125x80xi32, #tpu.memory_space<vmem>> -> memref<1x80xi32, #tpu.memory_space<vmem>>
      %dma_start3A_168 = tpu.memref_squeeze %dma_start3A_167 : memref<1x80xi32, #tpu.memory_space<vmem>> -> memref<80xi32, #tpu.memory_space<vmem>>
      %dma_start3A_169 = arith.constant 0 : i32
      %dma_start3A_170 = arith.constant 0 : i32
      %dma_start3A_171 = tpu.memref_slice %arg13[%dma_start3A_169, %dma_start3A_170] : memref<10240x64xf32, #tpu.memory_space<vmem_shared>> -> memref<10240x64xf32, #tpu.memory_space<vmem_shared>>
      tpu.enqueue_indirect_dma source(%arg10 : memref<80x64xf32, #tpu.memory_space<vmem>>) target(%dma_start3A_171 : memref<10240x64xf32, #tpu.memory_space<vmem_shared>>) offsets(%dma_start3A_168 : memref<80xi32, #tpu.memory_space<vmem>>) semaphore(%arg21 : memref<!tpu.dma_semaphore, #tpu.memory_space<semaphore_mem>>) {add = true}
      %mul3A_172 = arith.constant 5 : i32
      %mul3A_173 = arith.muli %scan3A_98, %mul3A_172 : i32
      %add3A_174 = arith.constant 3 : i32
      %add3A_175 = arith.addi %mul3A_173, %add3A_174 : i32
      %lt3A_176 = arith.constant 24 : i32
      %lt3A_177 = arith.cmpi slt, %scan3A_98, %lt3A_176 : i32
      %convert_element_type3A_178 = arith.extui %lt3A_177 : i1 to i32
      %cond3A_179 = arith.constant 0 : i32
      %cond3A_180 = arith.cmpi ne, %convert_element_type3A_178, %cond3A_179 : i32
      scf.if %cond3A_180 {
        %dma_wait3A_224 = arith.constant 0 : i32
        %dma_wait3A_225 = tpu.memref_slice %arg7[%add3A_175, %dma_wait3A_224] : memref<125x80xi32, #tpu.memory_space<vmem>> -> memref<1x80xi32, #tpu.memory_space<vmem>>
        %dma_wait3A_226 = tpu.memref_squeeze %dma_wait3A_225 : memref<1x80xi32, #tpu.memory_space<vmem>> -> memref<80xi32, #tpu.memory_space<vmem>>
        %dma_wait3A_227 = arith.constant 0 : i32
        %dma_wait3A_228 = arith.constant 0 : i32
        %dma_wait3A_229 = tpu.memref_slice %arg13[%dma_wait3A_227, %dma_wait3A_228] : memref<10240x64xf32, #tpu.memory_space<vmem_shared>> -> memref<10240x64xf32, #tpu.memory_space<vmem_shared>>
        tpu.wait_indirect_dma semaphore(%arg20 : memref<!tpu.dma_semaphore, #tpu.memory_space<semaphore_mem>>) src(%arg9 : memref<80x64xf32, #tpu.memory_space<vmem>>) dst(%dma_wait3A_229 : memref<10240x64xf32, #tpu.memory_space<vmem_shared>>)
        %add3A_230 = arith.constant 3 : i32
        %add3A_231 = arith.addi %add3A_175, %add3A_230 : i32
        %dma_start3A_232 = arith.constant 0 : i32
        %dma_start3A_233 = tpu.memref_slice %arg6[%add3A_231, %dma_start3A_232] : memref<125x80xi32, #tpu.memory_space<vmem>> -> memref<1x80xi32, #tpu.memory_space<vmem>>
        %dma_start3A_234 = tpu.memref_squeeze %dma_start3A_233 : memref<1x80xi32, #tpu.memory_space<vmem>> -> memref<80xi32, #tpu.memory_space<vmem>>
        %dma_start3A_235 = arith.constant 0 : i32
        %dma_start3A_236 = arith.constant 0 : i32
        %dma_start3A_237 = tpu.memref_slice %arg2[%dma_start3A_235, %dma_start3A_236] : memref<10240x64xf32, #tpu.memory_space<hbm>> -> memref<10240x64xf32, #tpu.memory_space<hbm>>
        tpu.enqueue_indirect_dma source(%dma_start3A_237 : memref<10240x64xf32, #tpu.memory_space<hbm>>) target(%arg9 : memref<80x64xf32, #tpu.memory_space<vmem>>) offsets(%dma_start3A_234 : memref<80xi32, #tpu.memory_space<vmem>>) semaphore(%arg15 : memref<!tpu.dma_semaphore, #tpu.memory_space<semaphore_mem>>)
      } else {
      }
      %eq3A_181 = arith.constant 24 : i32
      %eq3A_182 = arith.cmpi eq, %scan3A_98, %eq3A_181 : i32
      %convert_element_type3A_183 = arith.extui %eq3A_182 : i1 to i32
      %cond3A_184 = arith.constant 0 : i32
      %cond3A_185 = arith.cmpi ne, %convert_element_type3A_183, %cond3A_184 : i32
      scf.if %cond3A_185 {
        %dma_wait3A_224 = arith.constant 0 : i32
        %dma_wait3A_225 = tpu.memref_slice %arg7[%add3A_175, %dma_wait3A_224] : memref<125x80xi32, #tpu.memory_space<vmem>> -> memref<1x80xi32, #tpu.memory_space<vmem>>
        %dma_wait3A_226 = tpu.memref_squeeze %dma_wait3A_225 : memref<1x80xi32, #tpu.memory_space<vmem>> -> memref<80xi32, #tpu.memory_space<vmem>>
        %dma_wait3A_227 = arith.constant 0 : i32
        %dma_wait3A_228 = arith.constant 0 : i32
        %dma_wait3A_229 = tpu.memref_slice %arg13[%dma_wait3A_227, %dma_wait3A_228] : memref<10240x64xf32, #tpu.memory_space<vmem_shared>> -> memref<10240x64xf32, #tpu.memory_space<vmem_shared>>
        tpu.wait_indirect_dma semaphore(%arg20 : memref<!tpu.dma_semaphore, #tpu.memory_space<semaphore_mem>>) src(%arg9 : memref<80x64xf32, #tpu.memory_space<vmem>>) dst(%dma_wait3A_229 : memref<10240x64xf32, #tpu.memory_space<vmem_shared>>)
      } else {
      }
      %dma_wait3A_186 = arith.constant 0 : i32
      %dma_wait3A_187 = tpu.memref_slice %arg6[%add3A_175, %dma_wait3A_186] : memref<125x80xi32, #tpu.memory_space<vmem>> -> memref<1x80xi32, #tpu.memory_space<vmem>>
      %dma_wait3A_188 = tpu.memref_squeeze %dma_wait3A_187 : memref<1x80xi32, #tpu.memory_space<vmem>> -> memref<80xi32, #tpu.memory_space<vmem>>
      %dma_wait3A_189 = arith.constant 0 : i32
      %dma_wait3A_190 = arith.constant 0 : i32
      %dma_wait3A_191 = tpu.memref_slice %arg2[%dma_wait3A_189, %dma_wait3A_190] : memref<10240x64xf32, #tpu.memory_space<hbm>> -> memref<10240x64xf32, #tpu.memory_space<hbm>>
      tpu.wait_indirect_dma semaphore(%arg17 : memref<!tpu.dma_semaphore, #tpu.memory_space<semaphore_mem>>) src(%dma_wait3A_191 : memref<10240x64xf32, #tpu.memory_space<hbm>>) dst(%arg11 : memref<80x64xf32, #tpu.memory_space<vmem>>)
      %dma_start3A_192 = arith.constant 0 : i32
      %dma_start3A_193 = tpu.memref_slice %arg7[%add3A_175, %dma_start3A_192] : memref<125x80xi32, #tpu.memory_space<vmem>> -> memref<1x80xi32, #tpu.memory_space<vmem>>
      %dma_start3A_194 = tpu.memref_squeeze %dma_start3A_193 : memref<1x80xi32, #tpu.memory_space<vmem>> -> memref<80xi32, #tpu.memory_space<vmem>>
      %dma_start3A_195 = arith.constant 0 : i32
      %dma_start3A_196 = arith.constant 0 : i32
      %dma_start3A_197 = tpu.memref_slice %arg13[%dma_start3A_195, %dma_start3A_196] : memref<10240x64xf32, #tpu.memory_space<vmem_shared>> -> memref<10240x64xf32, #tpu.memory_space<vmem_shared>>
      tpu.enqueue_indirect_dma source(%arg11 : memref<80x64xf32, #tpu.memory_space<vmem>>) target(%dma_start3A_197 : memref<10240x64xf32, #tpu.memory_space<vmem_shared>>) offsets(%dma_start3A_194 : memref<80xi32, #tpu.memory_space<vmem>>) semaphore(%arg22 : memref<!tpu.dma_semaphore, #tpu.memory_space<semaphore_mem>>) {add = true}
      %mul3A_198 = arith.constant 5 : i32
      %mul3A_199 = arith.muli %scan3A_98, %mul3A_198 : i32
      %add3A_200 = arith.constant 4 : i32
      %add3A_201 = arith.addi %mul3A_199, %add3A_200 : i32
      %lt3A_202 = arith.constant 24 : i32
      %lt3A_203 = arith.cmpi slt, %scan3A_98, %lt3A_202 : i32
      %convert_element_type3A_204 = arith.extui %lt3A_203 : i1 to i32
      %cond3A_205 = arith.constant 0 : i32
      %cond3A_206 = arith.cmpi ne, %convert_element_type3A_204, %cond3A_205 : i32
      scf.if %cond3A_206 {
        %dma_wait3A_224 = arith.constant 0 : i32
        %dma_wait3A_225 = tpu.memref_slice %arg7[%add3A_201, %dma_wait3A_224] : memref<125x80xi32, #tpu.memory_space<vmem>> -> memref<1x80xi32, #tpu.memory_space<vmem>>
        %dma_wait3A_226 = tpu.memref_squeeze %dma_wait3A_225 : memref<1x80xi32, #tpu.memory_space<vmem>> -> memref<80xi32, #tpu.memory_space<vmem>>
        %dma_wait3A_227 = arith.constant 0 : i32
        %dma_wait3A_228 = arith.constant 0 : i32
        %dma_wait3A_229 = tpu.memref_slice %arg13[%dma_wait3A_227, %dma_wait3A_228] : memref<10240x64xf32, #tpu.memory_space<vmem_shared>> -> memref<10240x64xf32, #tpu.memory_space<vmem_shared>>
        tpu.wait_indirect_dma semaphore(%arg21 : memref<!tpu.dma_semaphore, #tpu.memory_space<semaphore_mem>>) src(%arg10 : memref<80x64xf32, #tpu.memory_space<vmem>>) dst(%dma_wait3A_229 : memref<10240x64xf32, #tpu.memory_space<vmem_shared>>)
        %add3A_230 = arith.constant 3 : i32
        %add3A_231 = arith.addi %add3A_201, %add3A_230 : i32
        %dma_start3A_232 = arith.constant 0 : i32
        %dma_start3A_233 = tpu.memref_slice %arg6[%add3A_231, %dma_start3A_232] : memref<125x80xi32, #tpu.memory_space<vmem>> -> memref<1x80xi32, #tpu.memory_space<vmem>>
        %dma_start3A_234 = tpu.memref_squeeze %dma_start3A_233 : memref<1x80xi32, #tpu.memory_space<vmem>> -> memref<80xi32, #tpu.memory_space<vmem>>
        %dma_start3A_235 = arith.constant 0 : i32
        %dma_start3A_236 = arith.constant 0 : i32
        %dma_start3A_237 = tpu.memref_slice %arg2[%dma_start3A_235, %dma_start3A_236] : memref<10240x64xf32, #tpu.memory_space<hbm>> -> memref<10240x64xf32, #tpu.memory_space<hbm>>
        tpu.enqueue_indirect_dma source(%dma_start3A_237 : memref<10240x64xf32, #tpu.memory_space<hbm>>) target(%arg10 : memref<80x64xf32, #tpu.memory_space<vmem>>) offsets(%dma_start3A_234 : memref<80xi32, #tpu.memory_space<vmem>>) semaphore(%arg16 : memref<!tpu.dma_semaphore, #tpu.memory_space<semaphore_mem>>)
      } else {
      }
      %eq3A_207 = arith.constant 24 : i32
      %eq3A_208 = arith.cmpi eq, %scan3A_98, %eq3A_207 : i32
      %convert_element_type3A_209 = arith.extui %eq3A_208 : i1 to i32
      %cond3A_210 = arith.constant 0 : i32
      %cond3A_211 = arith.cmpi ne, %convert_element_type3A_209, %cond3A_210 : i32
      scf.if %cond3A_211 {
        %dma_wait3A_224 = arith.constant 0 : i32
        %dma_wait3A_225 = tpu.memref_slice %arg7[%add3A_201, %dma_wait3A_224] : memref<125x80xi32, #tpu.memory_space<vmem>> -> memref<1x80xi32, #tpu.memory_space<vmem>>
        %dma_wait3A_226 = tpu.memref_squeeze %dma_wait3A_225 : memref<1x80xi32, #tpu.memory_space<vmem>> -> memref<80xi32, #tpu.memory_space<vmem>>
        %dma_wait3A_227 = arith.constant 0 : i32
        %dma_wait3A_228 = arith.constant 0 : i32
        %dma_wait3A_229 = tpu.memref_slice %arg13[%dma_wait3A_227, %dma_wait3A_228] : memref<10240x64xf32, #tpu.memory_space<vmem_shared>> -> memref<10240x64xf32, #tpu.memory_space<vmem_shared>>
        tpu.wait_indirect_dma semaphore(%arg21 : memref<!tpu.dma_semaphore, #tpu.memory_space<semaphore_mem>>) src(%arg10 : memref<80x64xf32, #tpu.memory_space<vmem>>) dst(%dma_wait3A_229 : memref<10240x64xf32, #tpu.memory_space<vmem_shared>>)
      } else {
      }
      %dma_wait3A_212 = arith.constant 0 : i32
      %dma_wait3A_213 = tpu.memref_slice %arg6[%add3A_201, %dma_wait3A_212] : memref<125x80xi32, #tpu.memory_space<vmem>> -> memref<1x80xi32, #tpu.memory_space<vmem>>
      %dma_wait3A_214 = tpu.memref_squeeze %dma_wait3A_213 : memref<1x80xi32, #tpu.memory_space<vmem>> -> memref<80xi32, #tpu.memory_space<vmem>>
      %dma_wait3A_215 = arith.constant 0 : i32
      %dma_wait3A_216 = arith.constant 0 : i32
      %dma_wait3A_217 = tpu.memref_slice %arg2[%dma_wait3A_215, %dma_wait3A_216] : memref<10240x64xf32, #tpu.memory_space<hbm>> -> memref<10240x64xf32, #tpu.memory_space<hbm>>
      tpu.wait_indirect_dma semaphore(%arg18 : memref<!tpu.dma_semaphore, #tpu.memory_space<semaphore_mem>>) src(%dma_wait3A_217 : memref<10240x64xf32, #tpu.memory_space<hbm>>) dst(%arg12 : memref<80x64xf32, #tpu.memory_space<vmem>>)
      %dma_start3A_218 = arith.constant 0 : i32
      %dma_start3A_219 = tpu.memref_slice %arg7[%add3A_201, %dma_start3A_218] : memref<125x80xi32, #tpu.memory_space<vmem>> -> memref<1x80xi32, #tpu.memory_space<vmem>>
      %dma_start3A_220 = tpu.memref_squeeze %dma_start3A_219 : memref<1x80xi32, #tpu.memory_space<vmem>> -> memref<80xi32, #tpu.memory_space<vmem>>
      %dma_start3A_221 = arith.constant 0 : i32
      %dma_start3A_222 = arith.constant 0 : i32
      %dma_start3A_223 = tpu.memref_slice %arg13[%dma_start3A_221, %dma_start3A_222] : memref<10240x64xf32, #tpu.memory_space<vmem_shared>> -> memref<10240x64xf32, #tpu.memory_space<vmem_shared>>
      tpu.enqueue_indirect_dma source(%arg12 : memref<80x64xf32, #tpu.memory_space<vmem>>) target(%dma_start3A_223 : memref<10240x64xf32, #tpu.memory_space<vmem_shared>>) offsets(%dma_start3A_220 : memref<80xi32, #tpu.memory_space<vmem>>) semaphore(%arg23 : memref<!tpu.dma_semaphore, #tpu.memory_space<semaphore_mem>>) {add = true}
    }
    %scan3A_66 = arith.constant 25 : i32
    %dma_wait3A_67 = arith.constant 123 : i32
    %dma_wait3A_68 = arith.constant 0 : i32
    %dma_wait3A_69 = tpu.memref_slice %arg7[%dma_wait3A_67, %dma_wait3A_68] : memref<125x80xi32, #tpu.memory_space<vmem>> -> memref<1x80xi32, #tpu.memory_space<vmem>>
    %dma_wait3A_70 = tpu.memref_squeeze %dma_wait3A_69 : memref<1x80xi32, #tpu.memory_space<vmem>> -> memref<80xi32, #tpu.memory_space<vmem>>
    %dma_wait3A_71 = arith.constant 0 : i32
    %dma_wait3A_72 = arith.constant 0 : i32
    %dma_wait3A_73 = tpu.memref_slice %arg13[%dma_wait3A_71, %dma_wait3A_72] : memref<10240x64xf32, #tpu.memory_space<vmem_shared>> -> memref<10240x64xf32, #tpu.memory_space<vmem_shared>>
    tpu.wait_indirect_dma semaphore(%arg22 : memref<!tpu.dma_semaphore, #tpu.memory_space<semaphore_mem>>) src(%arg11 : memref<80x64xf32, #tpu.memory_space<vmem>>) dst(%dma_wait3A_73 : memref<10240x64xf32, #tpu.memory_space<vmem_shared>>)
    %dma_wait3A_74 = arith.constant 124 : i32
    %dma_wait3A_75 = arith.constant 0 : i32
    %dma_wait3A_76 = tpu.memref_slice %arg7[%dma_wait3A_74, %dma_wait3A_75] : memref<125x80xi32, #tpu.memory_space<vmem>> -> memref<1x80xi32, #tpu.memory_space<vmem>>
    %dma_wait3A_77 = tpu.memref_squeeze %dma_wait3A_76 : memref<1x80xi32, #tpu.memory_space<vmem>> -> memref<80xi32, #tpu.memory_space<vmem>>
    %dma_wait3A_78 = arith.constant 0 : i32
    %dma_wait3A_79 = arith.constant 0 : i32
    %dma_wait3A_80 = tpu.memref_slice %arg13[%dma_wait3A_78, %dma_wait3A_79] : memref<10240x64xf32, #tpu.memory_space<vmem_shared>> -> memref<10240x64xf32, #tpu.memory_space<vmem_shared>>
    tpu.wait_indirect_dma semaphore(%arg23 : memref<!tpu.dma_semaphore, #tpu.memory_space<semaphore_mem>>) src(%arg12 : memref<80x64xf32, #tpu.memory_space<vmem>>) dst(%dma_wait3A_80 : memref<10240x64xf32, #tpu.memory_space<vmem_shared>>)
    %barrier3A_81 = arith.constant 0 : index
    tpu.barrier barrier_id(%barrier3A_81)
    %dma_start3A_82 = arith.constant 0 : i32
    %dma_start3A_83 = arith.constant 0 : i32
    %dma_start3A_84 = tpu.memref_slice %arg5[%arg0, %dma_start3A_82, %dma_start3A_83] : memref<2x10240x64xf32, #tpu.memory_space<hbm>> -> memref<1x10240x64xf32, #tpu.memory_space<hbm>>
    %dma_start3A_85 = tpu.memref_squeeze %dma_start3A_84 : memref<1x10240x64xf32, #tpu.memory_space<hbm>> -> memref<10240x64xf32, #tpu.memory_space<hbm>>
    %dma_start3A_86 = arith.constant 0 : i32
    %dma_start3A_87 = tpu.memref_slice %dma_start3A_85[%mul3A_2, %dma_start3A_86] : memref<10240x64xf32, #tpu.memory_space<hbm>> -> memref<640x64xf32, #tpu.memory_space<hbm>>
    %dma_start3A_88 = arith.constant 0 : i32
    %dma_start3A_89 = tpu.memref_slice %arg13[%mul3A_2, %dma_start3A_88] : memref<10240x64xf32, #tpu.memory_space<vmem_shared>> -> memref<640x64xf32, #tpu.memory_space<vmem_shared>>
    tpu.enqueue_dma source(%dma_start3A_89 : memref<640x64xf32, #tpu.memory_space<vmem_shared>>) target(%dma_start3A_87 : memref<640x64xf32, #tpu.memory_space<hbm>>) target_semaphore(%arg14 : memref<!tpu.dma_semaphore, #tpu.memory_space<semaphore_mem>>)
    %dma_wait3A_90 = arith.constant 0 : i32
    %dma_wait3A_91 = arith.constant 0 : i32
    %dma_wait3A_92 = tpu.memref_slice %arg5[%arg0, %dma_wait3A_90, %dma_wait3A_91] : memref<2x10240x64xf32, #tpu.memory_space<hbm>> -> memref<1x10240x64xf32, #tpu.memory_space<hbm>>
    %dma_wait3A_93 = tpu.memref_squeeze %dma_wait3A_92 : memref<1x10240x64xf32, #tpu.memory_space<hbm>> -> memref<10240x64xf32, #tpu.memory_space<hbm>>
    %dma_wait3A_94 = arith.constant 0 : i32
    %dma_wait3A_95 = tpu.memref_slice %dma_wait3A_93[%mul3A_2, %dma_wait3A_94] : memref<10240x64xf32, #tpu.memory_space<hbm>> -> memref<640x64xf32, #tpu.memory_space<hbm>>
    %dma_wait3A_96 = arith.constant 0 : i32
    %dma_wait3A_97 = tpu.memref_slice %arg13[%mul3A_2, %dma_wait3A_96] : memref<10240x64xf32, #tpu.memory_space<vmem_shared>> -> memref<640x64xf32, #tpu.memory_space<vmem_shared>>
    tpu.wait_dma2 semaphore(%arg14 : memref<!tpu.dma_semaphore, #tpu.memory_space<semaphore_mem>>) src(%dma_wait3A_97 : memref<640x64xf32, #tpu.memory_space<vmem_shared>>) dst(%dma_wait3A_95 : memref<640x64xf32, #tpu.memory_space<hbm>>)
    return
  }
}

#map = affine_map<(d0, d1) -> (0, 0)>
#map1 = affine_map<(d0, d1) -> (0, 0, 0, 0)>
#map2 = affine_map<(d0, d1) -> (0, 0, 0)>
module attributes {stable_mosaic.version = 14 : i64} {
  func.func @_sc_agg_body(%arg0: i32, %arg1: i32, %arg2: memref<10240x64xf32, #tpu.memory_space<hbm>>, %arg3: memref<2x32x125x80xi32, #tpu.memory_space<hbm>>, %arg4: memref<640x64xf32, #tpu.memory_space<hbm>>, %arg5: memref<640x16xf32, #tpu.memory_space<hbm>>, %arg6: memref<80x16xf32, #tpu.memory_space<hbm>>, %arg7: memref<2x10240x64xf32, #tpu.memory_space<hbm>>, %arg8: memref<2x10240x16xf32, #tpu.memory_space<hbm>>, %arg9: memref<125x80xi32, #tpu.memory_space<vmem>>, %arg10: memref<125x80xi32, #tpu.memory_space<vmem>>, %arg11: memref<80x16xf32, #tpu.memory_space<vmem>>, %arg12: memref<80x64xf32, #tpu.memory_space<vmem>>, %arg13: memref<80x64xf32, #tpu.memory_space<vmem>>, %arg14: memref<80x64xf32, #tpu.memory_space<vmem>>, %arg15: memref<80x64xf32, #tpu.memory_space<vmem>>, %arg16: memref<80x64xf32, #tpu.memory_space<vmem>>, %arg17: memref<10240x64xf32, #tpu.memory_space<vmem_shared>>, %arg18: memref<10240x16xf32, #tpu.memory_space<vmem_shared>>, %arg19: memref<!tpu.dma_semaphore, #tpu.memory_space<semaphore_mem>>, %arg20: memref<!tpu.dma_semaphore, #tpu.memory_space<semaphore_mem>>, %arg21: memref<!tpu.dma_semaphore, #tpu.memory_space<semaphore_mem>>, %arg22: memref<!tpu.dma_semaphore, #tpu.memory_space<semaphore_mem>>, %arg23: memref<!tpu.dma_semaphore, #tpu.memory_space<semaphore_mem>>, %arg24: memref<!tpu.dma_semaphore, #tpu.memory_space<semaphore_mem>>, %arg25: memref<!tpu.dma_semaphore, #tpu.memory_space<semaphore_mem>>, %arg26: memref<!tpu.dma_semaphore, #tpu.memory_space<semaphore_mem>>, %arg27: memref<!tpu.dma_semaphore, #tpu.memory_space<semaphore_mem>>, %arg28: memref<!tpu.dma_semaphore, #tpu.memory_space<semaphore_mem>>, %arg29: memref<!tpu.dma_semaphore, #tpu.memory_space<semaphore_mem>>, %arg30: memref<!tpu.dma_semaphore, #tpu.memory_space<semaphore_mem>>, %arg31: memref<!tpu.dma_semaphore, #tpu.memory_space<semaphore_mem>>, %arg32: memref<!tpu.dma_semaphore, #tpu.memory_space<semaphore_mem>>, %arg33: memref<!tpu.dma_semaphore, #tpu.memory_space<semaphore_mem>>) attributes {dimension_semantics = [#tpu.dimension_semantics<core_parallel>, #tpu.dimension_semantics<subcore_parallel>], iteration_bounds = array<i64: 2, 16>, scalar_prefetch = 0 : i64, scratch_operands = 25 : i64, tpu.core_type = #tpu.core_type<sc_vector_subcore>, window_params = [{transform_indices = #map}, {transform_indices = #map1}, {transform_indices = #map}, {transform_indices = #map}, {transform_indices = #map}, {transform_indices = #map2}, {transform_indices = #map2}]} {
    %mul3A = arith.constant 16 : i32
    %mul3A_0 = arith.muli %arg0, %mul3A : i32
    %add3A = arith.addi %mul3A_0, %arg1 : i32
    %mul3A_1 = arith.constant 640 : i32
    %mul3A_2 = arith.muli %arg1, %mul3A_1 : i32
    %dma_start3A = arith.constant 0 : i32
    %dma_start3A_3 = tpu.memref_slice %arg17[%mul3A_2, %dma_start3A] : memref<10240x64xf32, #tpu.memory_space<vmem_shared>> -> memref<640x64xf32, #tpu.memory_space<vmem_shared>>
    tpu.enqueue_dma source(%arg4 : memref<640x64xf32, #tpu.memory_space<hbm>>) target(%dma_start3A_3 : memref<640x64xf32, #tpu.memory_space<vmem_shared>>) target_semaphore(%arg19 : memref<!tpu.dma_semaphore, #tpu.memory_space<semaphore_mem>>)
    %dma_start3A_4 = arith.constant 0 : i32
    %dma_start3A_5 = arith.constant 0 : i32
    %dma_start3A_6 = arith.constant 0 : i32
    %dma_start3A_7 = tpu.memref_slice %arg3[%dma_start3A_4, %add3A, %dma_start3A_5, %dma_start3A_6] : memref<2x32x125x80xi32, #tpu.memory_space<hbm>> -> memref<1x1x125x80xi32, #tpu.memory_space<hbm>>
    %dma_start3A_8 = tpu.memref_squeeze %dma_start3A_7 : memref<1x1x125x80xi32, #tpu.memory_space<hbm>> -> memref<125x80xi32, #tpu.memory_space<hbm>>
    %dma_start3A_9 = arith.constant 0 : i32
    %dma_start3A_10 = arith.constant 0 : i32
    %dma_start3A_11 = tpu.memref_slice %arg3[%dma_start3A_4, %add3A, %dma_start3A_9, %dma_start3A_10] : memref<2x32x125x80xi32, #tpu.memory_space<hbm>> -> memref<1x1x125x80xi32, #tpu.memory_space<hbm>>
    %dma_start3A_12 = tpu.memref_squeeze %dma_start3A_11 : memref<1x1x125x80xi32, #tpu.memory_space<hbm>> -> memref<125x80xi32, #tpu.memory_space<hbm>>
    tpu.enqueue_dma source(%dma_start3A_12 : memref<125x80xi32, #tpu.memory_space<hbm>>) target(%arg9 : memref<125x80xi32, #tpu.memory_space<vmem>>) target_semaphore(%arg20 : memref<!tpu.dma_semaphore, #tpu.memory_space<semaphore_mem>>)
    %dma_start3A_13 = arith.constant 1 : i32
    %dma_start3A_14 = arith.constant 0 : i32
    %dma_start3A_15 = arith.constant 0 : i32
    %dma_start3A_16 = tpu.memref_slice %arg3[%dma_start3A_13, %add3A, %dma_start3A_14, %dma_start3A_15] : memref<2x32x125x80xi32, #tpu.memory_space<hbm>> -> memref<1x1x125x80xi32, #tpu.memory_space<hbm>>
    %dma_start3A_17 = tpu.memref_squeeze %dma_start3A_16 : memref<1x1x125x80xi32, #tpu.memory_space<hbm>> -> memref<125x80xi32, #tpu.memory_space<hbm>>
    %dma_start3A_18 = arith.constant 0 : i32
    %dma_start3A_19 = arith.constant 0 : i32
    %dma_start3A_20 = tpu.memref_slice %arg3[%dma_start3A_13, %add3A, %dma_start3A_18, %dma_start3A_19] : memref<2x32x125x80xi32, #tpu.memory_space<hbm>> -> memref<1x1x125x80xi32, #tpu.memory_space<hbm>>
    %dma_start3A_21 = tpu.memref_squeeze %dma_start3A_20 : memref<1x1x125x80xi32, #tpu.memory_space<hbm>> -> memref<125x80xi32, #tpu.memory_space<hbm>>
    tpu.enqueue_dma source(%dma_start3A_21 : memref<125x80xi32, #tpu.memory_space<hbm>>) target(%arg10 : memref<125x80xi32, #tpu.memory_space<vmem>>) target_semaphore(%arg21 : memref<!tpu.dma_semaphore, #tpu.memory_space<semaphore_mem>>)
    %dma_start3A_22 = arith.constant 0 : i32
    %dma_start3A_23 = tpu.memref_slice %arg18[%mul3A_2, %dma_start3A_22] : memref<10240x16xf32, #tpu.memory_space<vmem_shared>> -> memref<640x16xf32, #tpu.memory_space<vmem_shared>>
    tpu.enqueue_dma source(%arg5 : memref<640x16xf32, #tpu.memory_space<hbm>>) target(%dma_start3A_23 : memref<640x16xf32, #tpu.memory_space<vmem_shared>>) target_semaphore(%arg22 : memref<!tpu.dma_semaphore, #tpu.memory_space<semaphore_mem>>)
    tpu.enqueue_dma source(%arg6 : memref<80x16xf32, #tpu.memory_space<hbm>>) target(%arg11 : memref<80x16xf32, #tpu.memory_space<vmem>>) target_semaphore(%arg23 : memref<!tpu.dma_semaphore, #tpu.memory_space<semaphore_mem>>)
    %dma_wait3A = arith.constant 0 : i32
    %dma_wait3A_24 = tpu.memref_slice %arg17[%mul3A_2, %dma_wait3A] : memref<10240x64xf32, #tpu.memory_space<vmem_shared>> -> memref<640x64xf32, #tpu.memory_space<vmem_shared>>
    tpu.wait_dma2 semaphore(%arg19 : memref<!tpu.dma_semaphore, #tpu.memory_space<semaphore_mem>>) src(%arg4 : memref<640x64xf32, #tpu.memory_space<hbm>>) dst(%dma_wait3A_24 : memref<640x64xf32, #tpu.memory_space<vmem_shared>>)
    %dma_wait3A_25 = arith.constant 0 : i32
    %dma_wait3A_26 = arith.constant 0 : i32
    %dma_wait3A_27 = arith.constant 0 : i32
    %dma_wait3A_28 = tpu.memref_slice %arg3[%dma_wait3A_25, %add3A, %dma_wait3A_26, %dma_wait3A_27] : memref<2x32x125x80xi32, #tpu.memory_space<hbm>> -> memref<1x1x125x80xi32, #tpu.memory_space<hbm>>
    %dma_wait3A_29 = tpu.memref_squeeze %dma_wait3A_28 : memref<1x1x125x80xi32, #tpu.memory_space<hbm>> -> memref<125x80xi32, #tpu.memory_space<hbm>>
    %dma_wait3A_30 = arith.constant 0 : i32
    %dma_wait3A_31 = arith.constant 0 : i32
    %dma_wait3A_32 = tpu.memref_slice %arg3[%dma_wait3A_25, %add3A, %dma_wait3A_30, %dma_wait3A_31] : memref<2x32x125x80xi32, #tpu.memory_space<hbm>> -> memref<1x1x125x80xi32, #tpu.memory_space<hbm>>
    %dma_wait3A_33 = tpu.memref_squeeze %dma_wait3A_32 : memref<1x1x125x80xi32, #tpu.memory_space<hbm>> -> memref<125x80xi32, #tpu.memory_space<hbm>>
    tpu.wait_dma2 semaphore(%arg20 : memref<!tpu.dma_semaphore, #tpu.memory_space<semaphore_mem>>) src(%dma_wait3A_33 : memref<125x80xi32, #tpu.memory_space<hbm>>) dst(%arg9 : memref<125x80xi32, #tpu.memory_space<vmem>>)
    %dma_wait3A_34 = arith.constant 1 : i32
    %dma_wait3A_35 = arith.constant 0 : i32
    %dma_wait3A_36 = arith.constant 0 : i32
    %dma_wait3A_37 = tpu.memref_slice %arg3[%dma_wait3A_34, %add3A, %dma_wait3A_35, %dma_wait3A_36] : memref<2x32x125x80xi32, #tpu.memory_space<hbm>> -> memref<1x1x125x80xi32, #tpu.memory_space<hbm>>
    %dma_wait3A_38 = tpu.memref_squeeze %dma_wait3A_37 : memref<1x1x125x80xi32, #tpu.memory_space<hbm>> -> memref<125x80xi32, #tpu.memory_space<hbm>>
    %dma_wait3A_39 = arith.constant 0 : i32
    %dma_wait3A_40 = arith.constant 0 : i32
    %dma_wait3A_41 = tpu.memref_slice %arg3[%dma_wait3A_34, %add3A, %dma_wait3A_39, %dma_wait3A_40] : memref<2x32x125x80xi32, #tpu.memory_space<hbm>> -> memref<1x1x125x80xi32, #tpu.memory_space<hbm>>
    %dma_wait3A_42 = tpu.memref_squeeze %dma_wait3A_41 : memref<1x1x125x80xi32, #tpu.memory_space<hbm>> -> memref<125x80xi32, #tpu.memory_space<hbm>>
    tpu.wait_dma2 semaphore(%arg21 : memref<!tpu.dma_semaphore, #tpu.memory_space<semaphore_mem>>) src(%dma_wait3A_42 : memref<125x80xi32, #tpu.memory_space<hbm>>) dst(%arg10 : memref<125x80xi32, #tpu.memory_space<vmem>>)
    %dma_wait3A_43 = arith.constant 0 : i32
    %dma_wait3A_44 = tpu.memref_slice %arg18[%mul3A_2, %dma_wait3A_43] : memref<10240x16xf32, #tpu.memory_space<vmem_shared>> -> memref<640x16xf32, #tpu.memory_space<vmem_shared>>
    tpu.wait_dma2 semaphore(%arg22 : memref<!tpu.dma_semaphore, #tpu.memory_space<semaphore_mem>>) src(%arg5 : memref<640x16xf32, #tpu.memory_space<hbm>>) dst(%dma_wait3A_44 : memref<640x16xf32, #tpu.memory_space<vmem_shared>>)
    tpu.wait_dma2 semaphore(%arg23 : memref<!tpu.dma_semaphore, #tpu.memory_space<semaphore_mem>>) src(%arg6 : memref<80x16xf32, #tpu.memory_space<hbm>>) dst(%arg11 : memref<80x16xf32, #tpu.memory_space<vmem>>)
    %barrier3A = arith.constant 0 : index
    tpu.barrier barrier_id(%barrier3A)
    %dma_start3A_45 = arith.constant 0 : i32
    %dma_start3A_46 = arith.constant 0 : i32
    %dma_start3A_47 = tpu.memref_slice %arg9[%dma_start3A_45, %dma_start3A_46] : memref<125x80xi32, #tpu.memory_space<vmem>> -> memref<1x80xi32, #tpu.memory_space<vmem>>
    %dma_start3A_48 = tpu.memref_squeeze %dma_start3A_47 : memref<1x80xi32, #tpu.memory_space<vmem>> -> memref<80xi32, #tpu.memory_space<vmem>>
    %dma_start3A_49 = arith.constant 0 : i32
    %dma_start3A_50 = arith.constant 0 : i32
    %dma_start3A_51 = tpu.memref_slice %arg2[%dma_start3A_49, %dma_start3A_50] : memref<10240x64xf32, #tpu.memory_space<hbm>> -> memref<10240x64xf32, #tpu.memory_space<hbm>>
    tpu.enqueue_indirect_dma source(%dma_start3A_51 : memref<10240x64xf32, #tpu.memory_space<hbm>>) target(%arg12 : memref<80x64xf32, #tpu.memory_space<vmem>>) offsets(%dma_start3A_48 : memref<80xi32, #tpu.memory_space<vmem>>) semaphore(%arg19 : memref<!tpu.dma_semaphore, #tpu.memory_space<semaphore_mem>>)
    %dma_start3A_52 = arith.constant 1 : i32
    %dma_start3A_53 = arith.constant 0 : i32
    %dma_start3A_54 = tpu.memref_slice %arg9[%dma_start3A_52, %dma_start3A_53] : memref<125x80xi32, #tpu.memory_space<vmem>> -> memref<1x80xi32, #tpu.memory_space<vmem>>
    %dma_start3A_55 = tpu.memref_squeeze %dma_start3A_54 : memref<1x80xi32, #tpu.memory_space<vmem>> -> memref<80xi32, #tpu.memory_space<vmem>>
    %dma_start3A_56 = arith.constant 0 : i32
    %dma_start3A_57 = arith.constant 0 : i32
    %dma_start3A_58 = tpu.memref_slice %arg2[%dma_start3A_56, %dma_start3A_57] : memref<10240x64xf32, #tpu.memory_space<hbm>> -> memref<10240x64xf32, #tpu.memory_space<hbm>>
    tpu.enqueue_indirect_dma source(%dma_start3A_58 : memref<10240x64xf32, #tpu.memory_space<hbm>>) target(%arg13 : memref<80x64xf32, #tpu.memory_space<vmem>>) offsets(%dma_start3A_55 : memref<80xi32, #tpu.memory_space<vmem>>) semaphore(%arg20 : memref<!tpu.dma_semaphore, #tpu.memory_space<semaphore_mem>>)
    %dma_start3A_59 = arith.constant 2 : i32
    %dma_start3A_60 = arith.constant 0 : i32
    %dma_start3A_61 = tpu.memref_slice %arg9[%dma_start3A_59, %dma_start3A_60] : memref<125x80xi32, #tpu.memory_space<vmem>> -> memref<1x80xi32, #tpu.memory_space<vmem>>
    %dma_start3A_62 = tpu.memref_squeeze %dma_start3A_61 : memref<1x80xi32, #tpu.memory_space<vmem>> -> memref<80xi32, #tpu.memory_space<vmem>>
    %dma_start3A_63 = arith.constant 0 : i32
    %dma_start3A_64 = arith.constant 0 : i32
    %dma_start3A_65 = tpu.memref_slice %arg2[%dma_start3A_63, %dma_start3A_64] : memref<10240x64xf32, #tpu.memory_space<hbm>> -> memref<10240x64xf32, #tpu.memory_space<hbm>>
    tpu.enqueue_indirect_dma source(%dma_start3A_65 : memref<10240x64xf32, #tpu.memory_space<hbm>>) target(%arg14 : memref<80x64xf32, #tpu.memory_space<vmem>>) offsets(%dma_start3A_62 : memref<80xi32, #tpu.memory_space<vmem>>) semaphore(%arg21 : memref<!tpu.dma_semaphore, #tpu.memory_space<semaphore_mem>>)
    %scan3A = arith.constant 0 : i32
    %scan3A_66 = arith.constant 0 : i32
    %scan3A_67 = arith.constant 25 : i32
    %scan3A_68 = arith.addi %scan3A_66, %scan3A_67 : i32
    %scan3A_69 = arith.constant 1 : i32
    scf.for %scan3A_132 = %scan3A_66 to %scan3A_68 step %scan3A_69  : i32 {
      %mul3A_133 = arith.constant 5 : i32
      %mul3A_134 = arith.muli %scan3A_132, %mul3A_133 : i32
      %add3A_135 = arith.constant 0 : i32
      %add3A_136 = arith.addi %mul3A_134, %add3A_135 : i32
      %ge3A = arith.constant 1 : i32
      %ge3A_137 = arith.cmpi sge, %scan3A_132, %ge3A : i32
      %convert_element_type3A = arith.extui %ge3A_137 : i1 to i32
      %cond3A = arith.constant 0 : i32
      %cond3A_138 = arith.cmpi ne, %convert_element_type3A, %cond3A : i32
      scf.if %cond3A_138 {
        %dma_wait3A_288 = arith.constant 0 : i32
        %dma_wait3A_289 = tpu.memref_slice %arg10[%add3A_136, %dma_wait3A_288] : memref<125x80xi32, #tpu.memory_space<vmem>> -> memref<1x80xi32, #tpu.memory_space<vmem>>
        %dma_wait3A_290 = tpu.memref_squeeze %dma_wait3A_289 : memref<1x80xi32, #tpu.memory_space<vmem>> -> memref<80xi32, #tpu.memory_space<vmem>>
        %dma_wait3A_291 = arith.constant 0 : i32
        %dma_wait3A_292 = arith.constant 0 : i32
        %dma_wait3A_293 = tpu.memref_slice %arg17[%dma_wait3A_291, %dma_wait3A_292] : memref<10240x64xf32, #tpu.memory_space<vmem_shared>> -> memref<10240x64xf32, #tpu.memory_space<vmem_shared>>
        tpu.wait_indirect_dma semaphore(%arg27 : memref<!tpu.dma_semaphore, #tpu.memory_space<semaphore_mem>>) src(%arg15 : memref<80x64xf32, #tpu.memory_space<vmem>>) dst(%dma_wait3A_293 : memref<10240x64xf32, #tpu.memory_space<vmem_shared>>)
        %dma_wait3A_294 = arith.constant 0 : i32
        %dma_wait3A_295 = tpu.memref_slice %arg10[%add3A_136, %dma_wait3A_294] : memref<125x80xi32, #tpu.memory_space<vmem>> -> memref<1x80xi32, #tpu.memory_space<vmem>>
        %dma_wait3A_296 = tpu.memref_squeeze %dma_wait3A_295 : memref<1x80xi32, #tpu.memory_space<vmem>> -> memref<80xi32, #tpu.memory_space<vmem>>
        %dma_wait3A_297 = arith.constant 0 : i32
        %dma_wait3A_298 = arith.constant 0 : i32
        %dma_wait3A_299 = tpu.memref_slice %arg18[%dma_wait3A_297, %dma_wait3A_298] : memref<10240x16xf32, #tpu.memory_space<vmem_shared>> -> memref<10240x16xf32, #tpu.memory_space<vmem_shared>>
        tpu.wait_indirect_dma semaphore(%arg32 : memref<!tpu.dma_semaphore, #tpu.memory_space<semaphore_mem>>) src(%arg11 : memref<80x16xf32, #tpu.memory_space<vmem>>) dst(%dma_wait3A_299 : memref<10240x16xf32, #tpu.memory_space<vmem_shared>>)
        %add3A_300 = arith.constant 3 : i32
        %add3A_301 = arith.addi %add3A_136, %add3A_300 : i32
        %dma_start3A_302 = arith.constant 0 : i32
        %dma_start3A_303 = tpu.memref_slice %arg9[%add3A_301, %dma_start3A_302] : memref<125x80xi32, #tpu.memory_space<vmem>> -> memref<1x80xi32, #tpu.memory_space<vmem>>
        %dma_start3A_304 = tpu.memref_squeeze %dma_start3A_303 : memref<1x80xi32, #tpu.memory_space<vmem>> -> memref<80xi32, #tpu.memory_space<vmem>>
        %dma_start3A_305 = arith.constant 0 : i32
        %dma_start3A_306 = arith.constant 0 : i32
        %dma_start3A_307 = tpu.memref_slice %arg2[%dma_start3A_305, %dma_start3A_306] : memref<10240x64xf32, #tpu.memory_space<hbm>> -> memref<10240x64xf32, #tpu.memory_space<hbm>>
        tpu.enqueue_indirect_dma source(%dma_start3A_307 : memref<10240x64xf32, #tpu.memory_space<hbm>>) target(%arg15 : memref<80x64xf32, #tpu.memory_space<vmem>>) offsets(%dma_start3A_304 : memref<80xi32, #tpu.memory_space<vmem>>) semaphore(%arg22 : memref<!tpu.dma_semaphore, #tpu.memory_space<semaphore_mem>>)
      } else {
      }
      %eq3A = arith.constant 0 : i32
      %eq3A_139 = arith.cmpi eq, %scan3A_132, %eq3A : i32
      %convert_element_type3A_140 = arith.extui %eq3A_139 : i1 to i32
      %cond3A_141 = arith.constant 0 : i32
      %cond3A_142 = arith.cmpi ne, %convert_element_type3A_140, %cond3A_141 : i32
      scf.if %cond3A_142 {
        %add3A_288 = arith.constant 3 : i32
        %add3A_289 = arith.addi %add3A_136, %add3A_288 : i32
        %dma_start3A_290 = arith.constant 0 : i32
        %dma_start3A_291 = tpu.memref_slice %arg9[%add3A_289, %dma_start3A_290] : memref<125x80xi32, #tpu.memory_space<vmem>> -> memref<1x80xi32, #tpu.memory_space<vmem>>
        %dma_start3A_292 = tpu.memref_squeeze %dma_start3A_291 : memref<1x80xi32, #tpu.memory_space<vmem>> -> memref<80xi32, #tpu.memory_space<vmem>>
        %dma_start3A_293 = arith.constant 0 : i32
        %dma_start3A_294 = arith.constant 0 : i32
        %dma_start3A_295 = tpu.memref_slice %arg2[%dma_start3A_293, %dma_start3A_294] : memref<10240x64xf32, #tpu.memory_space<hbm>> -> memref<10240x64xf32, #tpu.memory_space<hbm>>
        tpu.enqueue_indirect_dma source(%dma_start3A_295 : memref<10240x64xf32, #tpu.memory_space<hbm>>) target(%arg15 : memref<80x64xf32, #tpu.memory_space<vmem>>) offsets(%dma_start3A_292 : memref<80xi32, #tpu.memory_space<vmem>>) semaphore(%arg22 : memref<!tpu.dma_semaphore, #tpu.memory_space<semaphore_mem>>)
      } else {
      }
      %dma_start3A_143 = arith.constant 0 : i32
      %dma_start3A_144 = tpu.memref_slice %arg10[%add3A_136, %dma_start3A_143] : memref<125x80xi32, #tpu.memory_space<vmem>> -> memref<1x80xi32, #tpu.memory_space<vmem>>
      %dma_start3A_145 = tpu.memref_squeeze %dma_start3A_144 : memref<1x80xi32, #tpu.memory_space<vmem>> -> memref<80xi32, #tpu.memory_space<vmem>>
      %dma_start3A_146 = arith.constant 0 : i32
      %dma_start3A_147 = arith.constant 0 : i32
      %dma_start3A_148 = tpu.memref_slice %arg18[%dma_start3A_146, %dma_start3A_147] : memref<10240x16xf32, #tpu.memory_space<vmem_shared>> -> memref<10240x16xf32, #tpu.memory_space<vmem_shared>>
      tpu.enqueue_indirect_dma source(%arg11 : memref<80x16xf32, #tpu.memory_space<vmem>>) target(%dma_start3A_148 : memref<10240x16xf32, #tpu.memory_space<vmem_shared>>) offsets(%dma_start3A_145 : memref<80xi32, #tpu.memory_space<vmem>>) semaphore(%arg29 : memref<!tpu.dma_semaphore, #tpu.memory_space<semaphore_mem>>) {add = true}
      %dma_wait3A_149 = arith.constant 0 : i32
      %dma_wait3A_150 = tpu.memref_slice %arg9[%add3A_136, %dma_wait3A_149] : memref<125x80xi32, #tpu.memory_space<vmem>> -> memref<1x80xi32, #tpu.memory_space<vmem>>
      %dma_wait3A_151 = tpu.memref_squeeze %dma_wait3A_150 : memref<1x80xi32, #tpu.memory_space<vmem>> -> memref<80xi32, #tpu.memory_space<vmem>>
      %dma_wait3A_152 = arith.constant 0 : i32
      %dma_wait3A_153 = arith.constant 0 : i32
      %dma_wait3A_154 = tpu.memref_slice %arg2[%dma_wait3A_152, %dma_wait3A_153] : memref<10240x64xf32, #tpu.memory_space<hbm>> -> memref<10240x64xf32, #tpu.memory_space<hbm>>
      tpu.wait_indirect_dma semaphore(%arg19 : memref<!tpu.dma_semaphore, #tpu.memory_space<semaphore_mem>>) src(%dma_wait3A_154 : memref<10240x64xf32, #tpu.memory_space<hbm>>) dst(%arg12 : memref<80x64xf32, #tpu.memory_space<vmem>>)
      %dma_start3A_155 = arith.constant 0 : i32
      %dma_start3A_156 = tpu.memref_slice %arg10[%add3A_136, %dma_start3A_155] : memref<125x80xi32, #tpu.memory_space<vmem>> -> memref<1x80xi32, #tpu.memory_space<vmem>>
      %dma_start3A_157 = tpu.memref_squeeze %dma_start3A_156 : memref<1x80xi32, #tpu.memory_space<vmem>> -> memref<80xi32, #tpu.memory_space<vmem>>
      %dma_start3A_158 = arith.constant 0 : i32
      %dma_start3A_159 = arith.constant 0 : i32
      %dma_start3A_160 = tpu.memref_slice %arg17[%dma_start3A_158, %dma_start3A_159] : memref<10240x64xf32, #tpu.memory_space<vmem_shared>> -> memref<10240x64xf32, #tpu.memory_space<vmem_shared>>
      tpu.enqueue_indirect_dma source(%arg12 : memref<80x64xf32, #tpu.memory_space<vmem>>) target(%dma_start3A_160 : memref<10240x64xf32, #tpu.memory_space<vmem_shared>>) offsets(%dma_start3A_157 : memref<80xi32, #tpu.memory_space<vmem>>) semaphore(%arg24 : memref<!tpu.dma_semaphore, #tpu.memory_space<semaphore_mem>>) {add = true}
      %mul3A_161 = arith.constant 5 : i32
      %mul3A_162 = arith.muli %scan3A_132, %mul3A_161 : i32
      %add3A_163 = arith.constant 1 : i32
      %add3A_164 = arith.addi %mul3A_162, %add3A_163 : i32
      %ge3A_165 = arith.constant 1 : i32
      %ge3A_166 = arith.cmpi sge, %scan3A_132, %ge3A_165 : i32
      %convert_element_type3A_167 = arith.extui %ge3A_166 : i1 to i32
      %cond3A_168 = arith.constant 0 : i32
      %cond3A_169 = arith.cmpi ne, %convert_element_type3A_167, %cond3A_168 : i32
      scf.if %cond3A_169 {
        %dma_wait3A_288 = arith.constant 0 : i32
        %dma_wait3A_289 = tpu.memref_slice %arg10[%add3A_164, %dma_wait3A_288] : memref<125x80xi32, #tpu.memory_space<vmem>> -> memref<1x80xi32, #tpu.memory_space<vmem>>
        %dma_wait3A_290 = tpu.memref_squeeze %dma_wait3A_289 : memref<1x80xi32, #tpu.memory_space<vmem>> -> memref<80xi32, #tpu.memory_space<vmem>>
        %dma_wait3A_291 = arith.constant 0 : i32
        %dma_wait3A_292 = arith.constant 0 : i32
        %dma_wait3A_293 = tpu.memref_slice %arg17[%dma_wait3A_291, %dma_wait3A_292] : memref<10240x64xf32, #tpu.memory_space<vmem_shared>> -> memref<10240x64xf32, #tpu.memory_space<vmem_shared>>
        tpu.wait_indirect_dma semaphore(%arg28 : memref<!tpu.dma_semaphore, #tpu.memory_space<semaphore_mem>>) src(%arg16 : memref<80x64xf32, #tpu.memory_space<vmem>>) dst(%dma_wait3A_293 : memref<10240x64xf32, #tpu.memory_space<vmem_shared>>)
        %dma_wait3A_294 = arith.constant 0 : i32
        %dma_wait3A_295 = tpu.memref_slice %arg10[%add3A_164, %dma_wait3A_294] : memref<125x80xi32, #tpu.memory_space<vmem>> -> memref<1x80xi32, #tpu.memory_space<vmem>>
        %dma_wait3A_296 = tpu.memref_squeeze %dma_wait3A_295 : memref<1x80xi32, #tpu.memory_space<vmem>> -> memref<80xi32, #tpu.memory_space<vmem>>
        %dma_wait3A_297 = arith.constant 0 : i32
        %dma_wait3A_298 = arith.constant 0 : i32
        %dma_wait3A_299 = tpu.memref_slice %arg18[%dma_wait3A_297, %dma_wait3A_298] : memref<10240x16xf32, #tpu.memory_space<vmem_shared>> -> memref<10240x16xf32, #tpu.memory_space<vmem_shared>>
        tpu.wait_indirect_dma semaphore(%arg33 : memref<!tpu.dma_semaphore, #tpu.memory_space<semaphore_mem>>) src(%arg11 : memref<80x16xf32, #tpu.memory_space<vmem>>) dst(%dma_wait3A_299 : memref<10240x16xf32, #tpu.memory_space<vmem_shared>>)
        %add3A_300 = arith.constant 3 : i32
        %add3A_301 = arith.addi %add3A_164, %add3A_300 : i32
        %dma_start3A_302 = arith.constant 0 : i32
        %dma_start3A_303 = tpu.memref_slice %arg9[%add3A_301, %dma_start3A_302] : memref<125x80xi32, #tpu.memory_space<vmem>> -> memref<1x80xi32, #tpu.memory_space<vmem>>
        %dma_start3A_304 = tpu.memref_squeeze %dma_start3A_303 : memref<1x80xi32, #tpu.memory_space<vmem>> -> memref<80xi32, #tpu.memory_space<vmem>>
        %dma_start3A_305 = arith.constant 0 : i32
        %dma_start3A_306 = arith.constant 0 : i32
        %dma_start3A_307 = tpu.memref_slice %arg2[%dma_start3A_305, %dma_start3A_306] : memref<10240x64xf32, #tpu.memory_space<hbm>> -> memref<10240x64xf32, #tpu.memory_space<hbm>>
        tpu.enqueue_indirect_dma source(%dma_start3A_307 : memref<10240x64xf32, #tpu.memory_space<hbm>>) target(%arg16 : memref<80x64xf32, #tpu.memory_space<vmem>>) offsets(%dma_start3A_304 : memref<80xi32, #tpu.memory_space<vmem>>) semaphore(%arg23 : memref<!tpu.dma_semaphore, #tpu.memory_space<semaphore_mem>>)
      } else {
      }
      %eq3A_170 = arith.constant 0 : i32
      %eq3A_171 = arith.cmpi eq, %scan3A_132, %eq3A_170 : i32
      %convert_element_type3A_172 = arith.extui %eq3A_171 : i1 to i32
      %cond3A_173 = arith.constant 0 : i32
      %cond3A_174 = arith.cmpi ne, %convert_element_type3A_172, %cond3A_173 : i32
      scf.if %cond3A_174 {
        %add3A_288 = arith.constant 3 : i32
        %add3A_289 = arith.addi %add3A_164, %add3A_288 : i32
        %dma_start3A_290 = arith.constant 0 : i32
        %dma_start3A_291 = tpu.memref_slice %arg9[%add3A_289, %dma_start3A_290] : memref<125x80xi32, #tpu.memory_space<vmem>> -> memref<1x80xi32, #tpu.memory_space<vmem>>
        %dma_start3A_292 = tpu.memref_squeeze %dma_start3A_291 : memref<1x80xi32, #tpu.memory_space<vmem>> -> memref<80xi32, #tpu.memory_space<vmem>>
        %dma_start3A_293 = arith.constant 0 : i32
        %dma_start3A_294 = arith.constant 0 : i32
        %dma_start3A_295 = tpu.memref_slice %arg2[%dma_start3A_293, %dma_start3A_294] : memref<10240x64xf32, #tpu.memory_space<hbm>> -> memref<10240x64xf32, #tpu.memory_space<hbm>>
        tpu.enqueue_indirect_dma source(%dma_start3A_295 : memref<10240x64xf32, #tpu.memory_space<hbm>>) target(%arg16 : memref<80x64xf32, #tpu.memory_space<vmem>>) offsets(%dma_start3A_292 : memref<80xi32, #tpu.memory_space<vmem>>) semaphore(%arg23 : memref<!tpu.dma_semaphore, #tpu.memory_space<semaphore_mem>>)
      } else {
      }
      %dma_start3A_175 = arith.constant 0 : i32
      %dma_start3A_176 = tpu.memref_slice %arg10[%add3A_164, %dma_start3A_175] : memref<125x80xi32, #tpu.memory_space<vmem>> -> memref<1x80xi32, #tpu.memory_space<vmem>>
      %dma_start3A_177 = tpu.memref_squeeze %dma_start3A_176 : memref<1x80xi32, #tpu.memory_space<vmem>> -> memref<80xi32, #tpu.memory_space<vmem>>
      %dma_start3A_178 = arith.constant 0 : i32
      %dma_start3A_179 = arith.constant 0 : i32
      %dma_start3A_180 = tpu.memref_slice %arg18[%dma_start3A_178, %dma_start3A_179] : memref<10240x16xf32, #tpu.memory_space<vmem_shared>> -> memref<10240x16xf32, #tpu.memory_space<vmem_shared>>
      tpu.enqueue_indirect_dma source(%arg11 : memref<80x16xf32, #tpu.memory_space<vmem>>) target(%dma_start3A_180 : memref<10240x16xf32, #tpu.memory_space<vmem_shared>>) offsets(%dma_start3A_177 : memref<80xi32, #tpu.memory_space<vmem>>) semaphore(%arg30 : memref<!tpu.dma_semaphore, #tpu.memory_space<semaphore_mem>>) {add = true}
      %dma_wait3A_181 = arith.constant 0 : i32
      %dma_wait3A_182 = tpu.memref_slice %arg9[%add3A_164, %dma_wait3A_181] : memref<125x80xi32, #tpu.memory_space<vmem>> -> memref<1x80xi32, #tpu.memory_space<vmem>>
      %dma_wait3A_183 = tpu.memref_squeeze %dma_wait3A_182 : memref<1x80xi32, #tpu.memory_space<vmem>> -> memref<80xi32, #tpu.memory_space<vmem>>
      %dma_wait3A_184 = arith.constant 0 : i32
      %dma_wait3A_185 = arith.constant 0 : i32
      %dma_wait3A_186 = tpu.memref_slice %arg2[%dma_wait3A_184, %dma_wait3A_185] : memref<10240x64xf32, #tpu.memory_space<hbm>> -> memref<10240x64xf32, #tpu.memory_space<hbm>>
      tpu.wait_indirect_dma semaphore(%arg20 : memref<!tpu.dma_semaphore, #tpu.memory_space<semaphore_mem>>) src(%dma_wait3A_186 : memref<10240x64xf32, #tpu.memory_space<hbm>>) dst(%arg13 : memref<80x64xf32, #tpu.memory_space<vmem>>)
      %dma_start3A_187 = arith.constant 0 : i32
      %dma_start3A_188 = tpu.memref_slice %arg10[%add3A_164, %dma_start3A_187] : memref<125x80xi32, #tpu.memory_space<vmem>> -> memref<1x80xi32, #tpu.memory_space<vmem>>
      %dma_start3A_189 = tpu.memref_squeeze %dma_start3A_188 : memref<1x80xi32, #tpu.memory_space<vmem>> -> memref<80xi32, #tpu.memory_space<vmem>>
      %dma_start3A_190 = arith.constant 0 : i32
      %dma_start3A_191 = arith.constant 0 : i32
      %dma_start3A_192 = tpu.memref_slice %arg17[%dma_start3A_190, %dma_start3A_191] : memref<10240x64xf32, #tpu.memory_space<vmem_shared>> -> memref<10240x64xf32, #tpu.memory_space<vmem_shared>>
      tpu.enqueue_indirect_dma source(%arg13 : memref<80x64xf32, #tpu.memory_space<vmem>>) target(%dma_start3A_192 : memref<10240x64xf32, #tpu.memory_space<vmem_shared>>) offsets(%dma_start3A_189 : memref<80xi32, #tpu.memory_space<vmem>>) semaphore(%arg25 : memref<!tpu.dma_semaphore, #tpu.memory_space<semaphore_mem>>) {add = true}
      %mul3A_193 = arith.constant 5 : i32
      %mul3A_194 = arith.muli %scan3A_132, %mul3A_193 : i32
      %add3A_195 = arith.constant 2 : i32
      %add3A_196 = arith.addi %mul3A_194, %add3A_195 : i32
      %lt3A = arith.constant 24 : i32
      %lt3A_197 = arith.cmpi slt, %scan3A_132, %lt3A : i32
      %convert_element_type3A_198 = arith.extui %lt3A_197 : i1 to i32
      %cond3A_199 = arith.constant 0 : i32
      %cond3A_200 = arith.cmpi ne, %convert_element_type3A_198, %cond3A_199 : i32
      scf.if %cond3A_200 {
        %dma_wait3A_288 = arith.constant 0 : i32
        %dma_wait3A_289 = tpu.memref_slice %arg10[%add3A_196, %dma_wait3A_288] : memref<125x80xi32, #tpu.memory_space<vmem>> -> memref<1x80xi32, #tpu.memory_space<vmem>>
        %dma_wait3A_290 = tpu.memref_squeeze %dma_wait3A_289 : memref<1x80xi32, #tpu.memory_space<vmem>> -> memref<80xi32, #tpu.memory_space<vmem>>
        %dma_wait3A_291 = arith.constant 0 : i32
        %dma_wait3A_292 = arith.constant 0 : i32
        %dma_wait3A_293 = tpu.memref_slice %arg17[%dma_wait3A_291, %dma_wait3A_292] : memref<10240x64xf32, #tpu.memory_space<vmem_shared>> -> memref<10240x64xf32, #tpu.memory_space<vmem_shared>>
        tpu.wait_indirect_dma semaphore(%arg24 : memref<!tpu.dma_semaphore, #tpu.memory_space<semaphore_mem>>) src(%arg12 : memref<80x64xf32, #tpu.memory_space<vmem>>) dst(%dma_wait3A_293 : memref<10240x64xf32, #tpu.memory_space<vmem_shared>>)
        %dma_wait3A_294 = arith.constant 0 : i32
        %dma_wait3A_295 = tpu.memref_slice %arg10[%add3A_196, %dma_wait3A_294] : memref<125x80xi32, #tpu.memory_space<vmem>> -> memref<1x80xi32, #tpu.memory_space<vmem>>
        %dma_wait3A_296 = tpu.memref_squeeze %dma_wait3A_295 : memref<1x80xi32, #tpu.memory_space<vmem>> -> memref<80xi32, #tpu.memory_space<vmem>>
        %dma_wait3A_297 = arith.constant 0 : i32
        %dma_wait3A_298 = arith.constant 0 : i32
        %dma_wait3A_299 = tpu.memref_slice %arg18[%dma_wait3A_297, %dma_wait3A_298] : memref<10240x16xf32, #tpu.memory_space<vmem_shared>> -> memref<10240x16xf32, #tpu.memory_space<vmem_shared>>
        tpu.wait_indirect_dma semaphore(%arg29 : memref<!tpu.dma_semaphore, #tpu.memory_space<semaphore_mem>>) src(%arg11 : memref<80x16xf32, #tpu.memory_space<vmem>>) dst(%dma_wait3A_299 : memref<10240x16xf32, #tpu.memory_space<vmem_shared>>)
        %add3A_300 = arith.constant 3 : i32
        %add3A_301 = arith.addi %add3A_196, %add3A_300 : i32
        %dma_start3A_302 = arith.constant 0 : i32
        %dma_start3A_303 = tpu.memref_slice %arg9[%add3A_301, %dma_start3A_302] : memref<125x80xi32, #tpu.memory_space<vmem>> -> memref<1x80xi32, #tpu.memory_space<vmem>>
        %dma_start3A_304 = tpu.memref_squeeze %dma_start3A_303 : memref<1x80xi32, #tpu.memory_space<vmem>> -> memref<80xi32, #tpu.memory_space<vmem>>
        %dma_start3A_305 = arith.constant 0 : i32
        %dma_start3A_306 = arith.constant 0 : i32
        %dma_start3A_307 = tpu.memref_slice %arg2[%dma_start3A_305, %dma_start3A_306] : memref<10240x64xf32, #tpu.memory_space<hbm>> -> memref<10240x64xf32, #tpu.memory_space<hbm>>
        tpu.enqueue_indirect_dma source(%dma_start3A_307 : memref<10240x64xf32, #tpu.memory_space<hbm>>) target(%arg12 : memref<80x64xf32, #tpu.memory_space<vmem>>) offsets(%dma_start3A_304 : memref<80xi32, #tpu.memory_space<vmem>>) semaphore(%arg19 : memref<!tpu.dma_semaphore, #tpu.memory_space<semaphore_mem>>)
      } else {
      }
      %eq3A_201 = arith.constant 24 : i32
      %eq3A_202 = arith.cmpi eq, %scan3A_132, %eq3A_201 : i32
      %convert_element_type3A_203 = arith.extui %eq3A_202 : i1 to i32
      %cond3A_204 = arith.constant 0 : i32
      %cond3A_205 = arith.cmpi ne, %convert_element_type3A_203, %cond3A_204 : i32
      scf.if %cond3A_205 {
        %dma_wait3A_288 = arith.constant 0 : i32
        %dma_wait3A_289 = tpu.memref_slice %arg10[%add3A_196, %dma_wait3A_288] : memref<125x80xi32, #tpu.memory_space<vmem>> -> memref<1x80xi32, #tpu.memory_space<vmem>>
        %dma_wait3A_290 = tpu.memref_squeeze %dma_wait3A_289 : memref<1x80xi32, #tpu.memory_space<vmem>> -> memref<80xi32, #tpu.memory_space<vmem>>
        %dma_wait3A_291 = arith.constant 0 : i32
        %dma_wait3A_292 = arith.constant 0 : i32
        %dma_wait3A_293 = tpu.memref_slice %arg17[%dma_wait3A_291, %dma_wait3A_292] : memref<10240x64xf32, #tpu.memory_space<vmem_shared>> -> memref<10240x64xf32, #tpu.memory_space<vmem_shared>>
        tpu.wait_indirect_dma semaphore(%arg24 : memref<!tpu.dma_semaphore, #tpu.memory_space<semaphore_mem>>) src(%arg12 : memref<80x64xf32, #tpu.memory_space<vmem>>) dst(%dma_wait3A_293 : memref<10240x64xf32, #tpu.memory_space<vmem_shared>>)
        %dma_wait3A_294 = arith.constant 0 : i32
        %dma_wait3A_295 = tpu.memref_slice %arg10[%add3A_196, %dma_wait3A_294] : memref<125x80xi32, #tpu.memory_space<vmem>> -> memref<1x80xi32, #tpu.memory_space<vmem>>
        %dma_wait3A_296 = tpu.memref_squeeze %dma_wait3A_295 : memref<1x80xi32, #tpu.memory_space<vmem>> -> memref<80xi32, #tpu.memory_space<vmem>>
        %dma_wait3A_297 = arith.constant 0 : i32
        %dma_wait3A_298 = arith.constant 0 : i32
        %dma_wait3A_299 = tpu.memref_slice %arg18[%dma_wait3A_297, %dma_wait3A_298] : memref<10240x16xf32, #tpu.memory_space<vmem_shared>> -> memref<10240x16xf32, #tpu.memory_space<vmem_shared>>
        tpu.wait_indirect_dma semaphore(%arg29 : memref<!tpu.dma_semaphore, #tpu.memory_space<semaphore_mem>>) src(%arg11 : memref<80x16xf32, #tpu.memory_space<vmem>>) dst(%dma_wait3A_299 : memref<10240x16xf32, #tpu.memory_space<vmem_shared>>)
      } else {
      }
      %dma_start3A_206 = arith.constant 0 : i32
      %dma_start3A_207 = tpu.memref_slice %arg10[%add3A_196, %dma_start3A_206] : memref<125x80xi32, #tpu.memory_space<vmem>> -> memref<1x80xi32, #tpu.memory_space<vmem>>
      %dma_start3A_208 = tpu.memref_squeeze %dma_start3A_207 : memref<1x80xi32, #tpu.memory_space<vmem>> -> memref<80xi32, #tpu.memory_space<vmem>>
      %dma_start3A_209 = arith.constant 0 : i32
      %dma_start3A_210 = arith.constant 0 : i32
      %dma_start3A_211 = tpu.memref_slice %arg18[%dma_start3A_209, %dma_start3A_210] : memref<10240x16xf32, #tpu.memory_space<vmem_shared>> -> memref<10240x16xf32, #tpu.memory_space<vmem_shared>>
      tpu.enqueue_indirect_dma source(%arg11 : memref<80x16xf32, #tpu.memory_space<vmem>>) target(%dma_start3A_211 : memref<10240x16xf32, #tpu.memory_space<vmem_shared>>) offsets(%dma_start3A_208 : memref<80xi32, #tpu.memory_space<vmem>>) semaphore(%arg31 : memref<!tpu.dma_semaphore, #tpu.memory_space<semaphore_mem>>) {add = true}
      %dma_wait3A_212 = arith.constant 0 : i32
      %dma_wait3A_213 = tpu.memref_slice %arg9[%add3A_196, %dma_wait3A_212] : memref<125x80xi32, #tpu.memory_space<vmem>> -> memref<1x80xi32, #tpu.memory_space<vmem>>
      %dma_wait3A_214 = tpu.memref_squeeze %dma_wait3A_213 : memref<1x80xi32, #tpu.memory_space<vmem>> -> memref<80xi32, #tpu.memory_space<vmem>>
      %dma_wait3A_215 = arith.constant 0 : i32
      %dma_wait3A_216 = arith.constant 0 : i32
      %dma_wait3A_217 = tpu.memref_slice %arg2[%dma_wait3A_215, %dma_wait3A_216] : memref<10240x64xf32, #tpu.memory_space<hbm>> -> memref<10240x64xf32, #tpu.memory_space<hbm>>
      tpu.wait_indirect_dma semaphore(%arg21 : memref<!tpu.dma_semaphore, #tpu.memory_space<semaphore_mem>>) src(%dma_wait3A_217 : memref<10240x64xf32, #tpu.memory_space<hbm>>) dst(%arg14 : memref<80x64xf32, #tpu.memory_space<vmem>>)
      %dma_start3A_218 = arith.constant 0 : i32
      %dma_start3A_219 = tpu.memref_slice %arg10[%add3A_196, %dma_start3A_218] : memref<125x80xi32, #tpu.memory_space<vmem>> -> memref<1x80xi32, #tpu.memory_space<vmem>>
      %dma_start3A_220 = tpu.memref_squeeze %dma_start3A_219 : memref<1x80xi32, #tpu.memory_space<vmem>> -> memref<80xi32, #tpu.memory_space<vmem>>
      %dma_start3A_221 = arith.constant 0 : i32
      %dma_start3A_222 = arith.constant 0 : i32
      %dma_start3A_223 = tpu.memref_slice %arg17[%dma_start3A_221, %dma_start3A_222] : memref<10240x64xf32, #tpu.memory_space<vmem_shared>> -> memref<10240x64xf32, #tpu.memory_space<vmem_shared>>
      tpu.enqueue_indirect_dma source(%arg14 : memref<80x64xf32, #tpu.memory_space<vmem>>) target(%dma_start3A_223 : memref<10240x64xf32, #tpu.memory_space<vmem_shared>>) offsets(%dma_start3A_220 : memref<80xi32, #tpu.memory_space<vmem>>) semaphore(%arg26 : memref<!tpu.dma_semaphore, #tpu.memory_space<semaphore_mem>>) {add = true}
      %mul3A_224 = arith.constant 5 : i32
      %mul3A_225 = arith.muli %scan3A_132, %mul3A_224 : i32
      %add3A_226 = arith.constant 3 : i32
      %add3A_227 = arith.addi %mul3A_225, %add3A_226 : i32
      %lt3A_228 = arith.constant 24 : i32
      %lt3A_229 = arith.cmpi slt, %scan3A_132, %lt3A_228 : i32
      %convert_element_type3A_230 = arith.extui %lt3A_229 : i1 to i32
      %cond3A_231 = arith.constant 0 : i32
      %cond3A_232 = arith.cmpi ne, %convert_element_type3A_230, %cond3A_231 : i32
      scf.if %cond3A_232 {
        %dma_wait3A_288 = arith.constant 0 : i32
        %dma_wait3A_289 = tpu.memref_slice %arg10[%add3A_227, %dma_wait3A_288] : memref<125x80xi32, #tpu.memory_space<vmem>> -> memref<1x80xi32, #tpu.memory_space<vmem>>
        %dma_wait3A_290 = tpu.memref_squeeze %dma_wait3A_289 : memref<1x80xi32, #tpu.memory_space<vmem>> -> memref<80xi32, #tpu.memory_space<vmem>>
        %dma_wait3A_291 = arith.constant 0 : i32
        %dma_wait3A_292 = arith.constant 0 : i32
        %dma_wait3A_293 = tpu.memref_slice %arg17[%dma_wait3A_291, %dma_wait3A_292] : memref<10240x64xf32, #tpu.memory_space<vmem_shared>> -> memref<10240x64xf32, #tpu.memory_space<vmem_shared>>
        tpu.wait_indirect_dma semaphore(%arg25 : memref<!tpu.dma_semaphore, #tpu.memory_space<semaphore_mem>>) src(%arg13 : memref<80x64xf32, #tpu.memory_space<vmem>>) dst(%dma_wait3A_293 : memref<10240x64xf32, #tpu.memory_space<vmem_shared>>)
        %dma_wait3A_294 = arith.constant 0 : i32
        %dma_wait3A_295 = tpu.memref_slice %arg10[%add3A_227, %dma_wait3A_294] : memref<125x80xi32, #tpu.memory_space<vmem>> -> memref<1x80xi32, #tpu.memory_space<vmem>>
        %dma_wait3A_296 = tpu.memref_squeeze %dma_wait3A_295 : memref<1x80xi32, #tpu.memory_space<vmem>> -> memref<80xi32, #tpu.memory_space<vmem>>
        %dma_wait3A_297 = arith.constant 0 : i32
        %dma_wait3A_298 = arith.constant 0 : i32
        %dma_wait3A_299 = tpu.memref_slice %arg18[%dma_wait3A_297, %dma_wait3A_298] : memref<10240x16xf32, #tpu.memory_space<vmem_shared>> -> memref<10240x16xf32, #tpu.memory_space<vmem_shared>>
        tpu.wait_indirect_dma semaphore(%arg30 : memref<!tpu.dma_semaphore, #tpu.memory_space<semaphore_mem>>) src(%arg11 : memref<80x16xf32, #tpu.memory_space<vmem>>) dst(%dma_wait3A_299 : memref<10240x16xf32, #tpu.memory_space<vmem_shared>>)
        %add3A_300 = arith.constant 3 : i32
        %add3A_301 = arith.addi %add3A_227, %add3A_300 : i32
        %dma_start3A_302 = arith.constant 0 : i32
        %dma_start3A_303 = tpu.memref_slice %arg9[%add3A_301, %dma_start3A_302] : memref<125x80xi32, #tpu.memory_space<vmem>> -> memref<1x80xi32, #tpu.memory_space<vmem>>
        %dma_start3A_304 = tpu.memref_squeeze %dma_start3A_303 : memref<1x80xi32, #tpu.memory_space<vmem>> -> memref<80xi32, #tpu.memory_space<vmem>>
        %dma_start3A_305 = arith.constant 0 : i32
        %dma_start3A_306 = arith.constant 0 : i32
        %dma_start3A_307 = tpu.memref_slice %arg2[%dma_start3A_305, %dma_start3A_306] : memref<10240x64xf32, #tpu.memory_space<hbm>> -> memref<10240x64xf32, #tpu.memory_space<hbm>>
        tpu.enqueue_indirect_dma source(%dma_start3A_307 : memref<10240x64xf32, #tpu.memory_space<hbm>>) target(%arg13 : memref<80x64xf32, #tpu.memory_space<vmem>>) offsets(%dma_start3A_304 : memref<80xi32, #tpu.memory_space<vmem>>) semaphore(%arg20 : memref<!tpu.dma_semaphore, #tpu.memory_space<semaphore_mem>>)
      } else {
      }
      %eq3A_233 = arith.constant 24 : i32
      %eq3A_234 = arith.cmpi eq, %scan3A_132, %eq3A_233 : i32
      %convert_element_type3A_235 = arith.extui %eq3A_234 : i1 to i32
      %cond3A_236 = arith.constant 0 : i32
      %cond3A_237 = arith.cmpi ne, %convert_element_type3A_235, %cond3A_236 : i32
      scf.if %cond3A_237 {
        %dma_wait3A_288 = arith.constant 0 : i32
        %dma_wait3A_289 = tpu.memref_slice %arg10[%add3A_227, %dma_wait3A_288] : memref<125x80xi32, #tpu.memory_space<vmem>> -> memref<1x80xi32, #tpu.memory_space<vmem>>
        %dma_wait3A_290 = tpu.memref_squeeze %dma_wait3A_289 : memref<1x80xi32, #tpu.memory_space<vmem>> -> memref<80xi32, #tpu.memory_space<vmem>>
        %dma_wait3A_291 = arith.constant 0 : i32
        %dma_wait3A_292 = arith.constant 0 : i32
        %dma_wait3A_293 = tpu.memref_slice %arg17[%dma_wait3A_291, %dma_wait3A_292] : memref<10240x64xf32, #tpu.memory_space<vmem_shared>> -> memref<10240x64xf32, #tpu.memory_space<vmem_shared>>
        tpu.wait_indirect_dma semaphore(%arg25 : memref<!tpu.dma_semaphore, #tpu.memory_space<semaphore_mem>>) src(%arg13 : memref<80x64xf32, #tpu.memory_space<vmem>>) dst(%dma_wait3A_293 : memref<10240x64xf32, #tpu.memory_space<vmem_shared>>)
        %dma_wait3A_294 = arith.constant 0 : i32
        %dma_wait3A_295 = tpu.memref_slice %arg10[%add3A_227, %dma_wait3A_294] : memref<125x80xi32, #tpu.memory_space<vmem>> -> memref<1x80xi32, #tpu.memory_space<vmem>>
        %dma_wait3A_296 = tpu.memref_squeeze %dma_wait3A_295 : memref<1x80xi32, #tpu.memory_space<vmem>> -> memref<80xi32, #tpu.memory_space<vmem>>
        %dma_wait3A_297 = arith.constant 0 : i32
        %dma_wait3A_298 = arith.constant 0 : i32
        %dma_wait3A_299 = tpu.memref_slice %arg18[%dma_wait3A_297, %dma_wait3A_298] : memref<10240x16xf32, #tpu.memory_space<vmem_shared>> -> memref<10240x16xf32, #tpu.memory_space<vmem_shared>>
        tpu.wait_indirect_dma semaphore(%arg30 : memref<!tpu.dma_semaphore, #tpu.memory_space<semaphore_mem>>) src(%arg11 : memref<80x16xf32, #tpu.memory_space<vmem>>) dst(%dma_wait3A_299 : memref<10240x16xf32, #tpu.memory_space<vmem_shared>>)
      } else {
      }
      %dma_start3A_238 = arith.constant 0 : i32
      %dma_start3A_239 = tpu.memref_slice %arg10[%add3A_227, %dma_start3A_238] : memref<125x80xi32, #tpu.memory_space<vmem>> -> memref<1x80xi32, #tpu.memory_space<vmem>>
      %dma_start3A_240 = tpu.memref_squeeze %dma_start3A_239 : memref<1x80xi32, #tpu.memory_space<vmem>> -> memref<80xi32, #tpu.memory_space<vmem>>
      %dma_start3A_241 = arith.constant 0 : i32
      %dma_start3A_242 = arith.constant 0 : i32
      %dma_start3A_243 = tpu.memref_slice %arg18[%dma_start3A_241, %dma_start3A_242] : memref<10240x16xf32, #tpu.memory_space<vmem_shared>> -> memref<10240x16xf32, #tpu.memory_space<vmem_shared>>
      tpu.enqueue_indirect_dma source(%arg11 : memref<80x16xf32, #tpu.memory_space<vmem>>) target(%dma_start3A_243 : memref<10240x16xf32, #tpu.memory_space<vmem_shared>>) offsets(%dma_start3A_240 : memref<80xi32, #tpu.memory_space<vmem>>) semaphore(%arg32 : memref<!tpu.dma_semaphore, #tpu.memory_space<semaphore_mem>>) {add = true}
      %dma_wait3A_244 = arith.constant 0 : i32
      %dma_wait3A_245 = tpu.memref_slice %arg9[%add3A_227, %dma_wait3A_244] : memref<125x80xi32, #tpu.memory_space<vmem>> -> memref<1x80xi32, #tpu.memory_space<vmem>>
      %dma_wait3A_246 = tpu.memref_squeeze %dma_wait3A_245 : memref<1x80xi32, #tpu.memory_space<vmem>> -> memref<80xi32, #tpu.memory_space<vmem>>
      %dma_wait3A_247 = arith.constant 0 : i32
      %dma_wait3A_248 = arith.constant 0 : i32
      %dma_wait3A_249 = tpu.memref_slice %arg2[%dma_wait3A_247, %dma_wait3A_248] : memref<10240x64xf32, #tpu.memory_space<hbm>> -> memref<10240x64xf32, #tpu.memory_space<hbm>>
      tpu.wait_indirect_dma semaphore(%arg22 : memref<!tpu.dma_semaphore, #tpu.memory_space<semaphore_mem>>) src(%dma_wait3A_249 : memref<10240x64xf32, #tpu.memory_space<hbm>>) dst(%arg15 : memref<80x64xf32, #tpu.memory_space<vmem>>)
      %dma_start3A_250 = arith.constant 0 : i32
      %dma_start3A_251 = tpu.memref_slice %arg10[%add3A_227, %dma_start3A_250] : memref<125x80xi32, #tpu.memory_space<vmem>> -> memref<1x80xi32, #tpu.memory_space<vmem>>
      %dma_start3A_252 = tpu.memref_squeeze %dma_start3A_251 : memref<1x80xi32, #tpu.memory_space<vmem>> -> memref<80xi32, #tpu.memory_space<vmem>>
      %dma_start3A_253 = arith.constant 0 : i32
      %dma_start3A_254 = arith.constant 0 : i32
      %dma_start3A_255 = tpu.memref_slice %arg17[%dma_start3A_253, %dma_start3A_254] : memref<10240x64xf32, #tpu.memory_space<vmem_shared>> -> memref<10240x64xf32, #tpu.memory_space<vmem_shared>>
      tpu.enqueue_indirect_dma source(%arg15 : memref<80x64xf32, #tpu.memory_space<vmem>>) target(%dma_start3A_255 : memref<10240x64xf32, #tpu.memory_space<vmem_shared>>) offsets(%dma_start3A_252 : memref<80xi32, #tpu.memory_space<vmem>>) semaphore(%arg27 : memref<!tpu.dma_semaphore, #tpu.memory_space<semaphore_mem>>) {add = true}
      %mul3A_256 = arith.constant 5 : i32
      %mul3A_257 = arith.muli %scan3A_132, %mul3A_256 : i32
      %add3A_258 = arith.constant 4 : i32
      %add3A_259 = arith.addi %mul3A_257, %add3A_258 : i32
      %lt3A_260 = arith.constant 24 : i32
      %lt3A_261 = arith.cmpi slt, %scan3A_132, %lt3A_260 : i32
      %convert_element_type3A_262 = arith.extui %lt3A_261 : i1 to i32
      %cond3A_263 = arith.constant 0 : i32
      %cond3A_264 = arith.cmpi ne, %convert_element_type3A_262, %cond3A_263 : i32
      scf.if %cond3A_264 {
        %dma_wait3A_288 = arith.constant 0 : i32
        %dma_wait3A_289 = tpu.memref_slice %arg10[%add3A_259, %dma_wait3A_288] : memref<125x80xi32, #tpu.memory_space<vmem>> -> memref<1x80xi32, #tpu.memory_space<vmem>>
        %dma_wait3A_290 = tpu.memref_squeeze %dma_wait3A_289 : memref<1x80xi32, #tpu.memory_space<vmem>> -> memref<80xi32, #tpu.memory_space<vmem>>
        %dma_wait3A_291 = arith.constant 0 : i32
        %dma_wait3A_292 = arith.constant 0 : i32
        %dma_wait3A_293 = tpu.memref_slice %arg17[%dma_wait3A_291, %dma_wait3A_292] : memref<10240x64xf32, #tpu.memory_space<vmem_shared>> -> memref<10240x64xf32, #tpu.memory_space<vmem_shared>>
        tpu.wait_indirect_dma semaphore(%arg26 : memref<!tpu.dma_semaphore, #tpu.memory_space<semaphore_mem>>) src(%arg14 : memref<80x64xf32, #tpu.memory_space<vmem>>) dst(%dma_wait3A_293 : memref<10240x64xf32, #tpu.memory_space<vmem_shared>>)
        %dma_wait3A_294 = arith.constant 0 : i32
        %dma_wait3A_295 = tpu.memref_slice %arg10[%add3A_259, %dma_wait3A_294] : memref<125x80xi32, #tpu.memory_space<vmem>> -> memref<1x80xi32, #tpu.memory_space<vmem>>
        %dma_wait3A_296 = tpu.memref_squeeze %dma_wait3A_295 : memref<1x80xi32, #tpu.memory_space<vmem>> -> memref<80xi32, #tpu.memory_space<vmem>>
        %dma_wait3A_297 = arith.constant 0 : i32
        %dma_wait3A_298 = arith.constant 0 : i32
        %dma_wait3A_299 = tpu.memref_slice %arg18[%dma_wait3A_297, %dma_wait3A_298] : memref<10240x16xf32, #tpu.memory_space<vmem_shared>> -> memref<10240x16xf32, #tpu.memory_space<vmem_shared>>
        tpu.wait_indirect_dma semaphore(%arg31 : memref<!tpu.dma_semaphore, #tpu.memory_space<semaphore_mem>>) src(%arg11 : memref<80x16xf32, #tpu.memory_space<vmem>>) dst(%dma_wait3A_299 : memref<10240x16xf32, #tpu.memory_space<vmem_shared>>)
        %add3A_300 = arith.constant 3 : i32
        %add3A_301 = arith.addi %add3A_259, %add3A_300 : i32
        %dma_start3A_302 = arith.constant 0 : i32
        %dma_start3A_303 = tpu.memref_slice %arg9[%add3A_301, %dma_start3A_302] : memref<125x80xi32, #tpu.memory_space<vmem>> -> memref<1x80xi32, #tpu.memory_space<vmem>>
        %dma_start3A_304 = tpu.memref_squeeze %dma_start3A_303 : memref<1x80xi32, #tpu.memory_space<vmem>> -> memref<80xi32, #tpu.memory_space<vmem>>
        %dma_start3A_305 = arith.constant 0 : i32
        %dma_start3A_306 = arith.constant 0 : i32
        %dma_start3A_307 = tpu.memref_slice %arg2[%dma_start3A_305, %dma_start3A_306] : memref<10240x64xf32, #tpu.memory_space<hbm>> -> memref<10240x64xf32, #tpu.memory_space<hbm>>
        tpu.enqueue_indirect_dma source(%dma_start3A_307 : memref<10240x64xf32, #tpu.memory_space<hbm>>) target(%arg14 : memref<80x64xf32, #tpu.memory_space<vmem>>) offsets(%dma_start3A_304 : memref<80xi32, #tpu.memory_space<vmem>>) semaphore(%arg21 : memref<!tpu.dma_semaphore, #tpu.memory_space<semaphore_mem>>)
      } else {
      }
      %eq3A_265 = arith.constant 24 : i32
      %eq3A_266 = arith.cmpi eq, %scan3A_132, %eq3A_265 : i32
      %convert_element_type3A_267 = arith.extui %eq3A_266 : i1 to i32
      %cond3A_268 = arith.constant 0 : i32
      %cond3A_269 = arith.cmpi ne, %convert_element_type3A_267, %cond3A_268 : i32
      scf.if %cond3A_269 {
        %dma_wait3A_288 = arith.constant 0 : i32
        %dma_wait3A_289 = tpu.memref_slice %arg10[%add3A_259, %dma_wait3A_288] : memref<125x80xi32, #tpu.memory_space<vmem>> -> memref<1x80xi32, #tpu.memory_space<vmem>>
        %dma_wait3A_290 = tpu.memref_squeeze %dma_wait3A_289 : memref<1x80xi32, #tpu.memory_space<vmem>> -> memref<80xi32, #tpu.memory_space<vmem>>
        %dma_wait3A_291 = arith.constant 0 : i32
        %dma_wait3A_292 = arith.constant 0 : i32
        %dma_wait3A_293 = tpu.memref_slice %arg17[%dma_wait3A_291, %dma_wait3A_292] : memref<10240x64xf32, #tpu.memory_space<vmem_shared>> -> memref<10240x64xf32, #tpu.memory_space<vmem_shared>>
        tpu.wait_indirect_dma semaphore(%arg26 : memref<!tpu.dma_semaphore, #tpu.memory_space<semaphore_mem>>) src(%arg14 : memref<80x64xf32, #tpu.memory_space<vmem>>) dst(%dma_wait3A_293 : memref<10240x64xf32, #tpu.memory_space<vmem_shared>>)
        %dma_wait3A_294 = arith.constant 0 : i32
        %dma_wait3A_295 = tpu.memref_slice %arg10[%add3A_259, %dma_wait3A_294] : memref<125x80xi32, #tpu.memory_space<vmem>> -> memref<1x80xi32, #tpu.memory_space<vmem>>
        %dma_wait3A_296 = tpu.memref_squeeze %dma_wait3A_295 : memref<1x80xi32, #tpu.memory_space<vmem>> -> memref<80xi32, #tpu.memory_space<vmem>>
        %dma_wait3A_297 = arith.constant 0 : i32
        %dma_wait3A_298 = arith.constant 0 : i32
        %dma_wait3A_299 = tpu.memref_slice %arg18[%dma_wait3A_297, %dma_wait3A_298] : memref<10240x16xf32, #tpu.memory_space<vmem_shared>> -> memref<10240x16xf32, #tpu.memory_space<vmem_shared>>
        tpu.wait_indirect_dma semaphore(%arg31 : memref<!tpu.dma_semaphore, #tpu.memory_space<semaphore_mem>>) src(%arg11 : memref<80x16xf32, #tpu.memory_space<vmem>>) dst(%dma_wait3A_299 : memref<10240x16xf32, #tpu.memory_space<vmem_shared>>)
      } else {
      }
      %dma_start3A_270 = arith.constant 0 : i32
      %dma_start3A_271 = tpu.memref_slice %arg10[%add3A_259, %dma_start3A_270] : memref<125x80xi32, #tpu.memory_space<vmem>> -> memref<1x80xi32, #tpu.memory_space<vmem>>
      %dma_start3A_272 = tpu.memref_squeeze %dma_start3A_271 : memref<1x80xi32, #tpu.memory_space<vmem>> -> memref<80xi32, #tpu.memory_space<vmem>>
      %dma_start3A_273 = arith.constant 0 : i32
      %dma_start3A_274 = arith.constant 0 : i32
      %dma_start3A_275 = tpu.memref_slice %arg18[%dma_start3A_273, %dma_start3A_274] : memref<10240x16xf32, #tpu.memory_space<vmem_shared>> -> memref<10240x16xf32, #tpu.memory_space<vmem_shared>>
      tpu.enqueue_indirect_dma source(%arg11 : memref<80x16xf32, #tpu.memory_space<vmem>>) target(%dma_start3A_275 : memref<10240x16xf32, #tpu.memory_space<vmem_shared>>) offsets(%dma_start3A_272 : memref<80xi32, #tpu.memory_space<vmem>>) semaphore(%arg33 : memref<!tpu.dma_semaphore, #tpu.memory_space<semaphore_mem>>) {add = true}
      %dma_wait3A_276 = arith.constant 0 : i32
      %dma_wait3A_277 = tpu.memref_slice %arg9[%add3A_259, %dma_wait3A_276] : memref<125x80xi32, #tpu.memory_space<vmem>> -> memref<1x80xi32, #tpu.memory_space<vmem>>
      %dma_wait3A_278 = tpu.memref_squeeze %dma_wait3A_277 : memref<1x80xi32, #tpu.memory_space<vmem>> -> memref<80xi32, #tpu.memory_space<vmem>>
      %dma_wait3A_279 = arith.constant 0 : i32
      %dma_wait3A_280 = arith.constant 0 : i32
      %dma_wait3A_281 = tpu.memref_slice %arg2[%dma_wait3A_279, %dma_wait3A_280] : memref<10240x64xf32, #tpu.memory_space<hbm>> -> memref<10240x64xf32, #tpu.memory_space<hbm>>
      tpu.wait_indirect_dma semaphore(%arg23 : memref<!tpu.dma_semaphore, #tpu.memory_space<semaphore_mem>>) src(%dma_wait3A_281 : memref<10240x64xf32, #tpu.memory_space<hbm>>) dst(%arg16 : memref<80x64xf32, #tpu.memory_space<vmem>>)
      %dma_start3A_282 = arith.constant 0 : i32
      %dma_start3A_283 = tpu.memref_slice %arg10[%add3A_259, %dma_start3A_282] : memref<125x80xi32, #tpu.memory_space<vmem>> -> memref<1x80xi32, #tpu.memory_space<vmem>>
      %dma_start3A_284 = tpu.memref_squeeze %dma_start3A_283 : memref<1x80xi32, #tpu.memory_space<vmem>> -> memref<80xi32, #tpu.memory_space<vmem>>
      %dma_start3A_285 = arith.constant 0 : i32
      %dma_start3A_286 = arith.constant 0 : i32
      %dma_start3A_287 = tpu.memref_slice %arg17[%dma_start3A_285, %dma_start3A_286] : memref<10240x64xf32, #tpu.memory_space<vmem_shared>> -> memref<10240x64xf32, #tpu.memory_space<vmem_shared>>
      tpu.enqueue_indirect_dma source(%arg16 : memref<80x64xf32, #tpu.memory_space<vmem>>) target(%dma_start3A_287 : memref<10240x64xf32, #tpu.memory_space<vmem_shared>>) offsets(%dma_start3A_284 : memref<80xi32, #tpu.memory_space<vmem>>) semaphore(%arg28 : memref<!tpu.dma_semaphore, #tpu.memory_space<semaphore_mem>>) {add = true}
    }
    %scan3A_70 = arith.constant 25 : i32
    %dma_wait3A_71 = arith.constant 123 : i32
    %dma_wait3A_72 = arith.constant 0 : i32
    %dma_wait3A_73 = tpu.memref_slice %arg10[%dma_wait3A_71, %dma_wait3A_72] : memref<125x80xi32, #tpu.memory_space<vmem>> -> memref<1x80xi32, #tpu.memory_space<vmem>>
    %dma_wait3A_74 = tpu.memref_squeeze %dma_wait3A_73 : memref<1x80xi32, #tpu.memory_space<vmem>> -> memref<80xi32, #tpu.memory_space<vmem>>
    %dma_wait3A_75 = arith.constant 0 : i32
    %dma_wait3A_76 = arith.constant 0 : i32
    %dma_wait3A_77 = tpu.memref_slice %arg17[%dma_wait3A_75, %dma_wait3A_76] : memref<10240x64xf32, #tpu.memory_space<vmem_shared>> -> memref<10240x64xf32, #tpu.memory_space<vmem_shared>>
    tpu.wait_indirect_dma semaphore(%arg27 : memref<!tpu.dma_semaphore, #tpu.memory_space<semaphore_mem>>) src(%arg15 : memref<80x64xf32, #tpu.memory_space<vmem>>) dst(%dma_wait3A_77 : memref<10240x64xf32, #tpu.memory_space<vmem_shared>>)
    %dma_wait3A_78 = arith.constant 123 : i32
    %dma_wait3A_79 = arith.constant 0 : i32
    %dma_wait3A_80 = tpu.memref_slice %arg10[%dma_wait3A_78, %dma_wait3A_79] : memref<125x80xi32, #tpu.memory_space<vmem>> -> memref<1x80xi32, #tpu.memory_space<vmem>>
    %dma_wait3A_81 = tpu.memref_squeeze %dma_wait3A_80 : memref<1x80xi32, #tpu.memory_space<vmem>> -> memref<80xi32, #tpu.memory_space<vmem>>
    %dma_wait3A_82 = arith.constant 0 : i32
    %dma_wait3A_83 = arith.constant 0 : i32
    %dma_wait3A_84 = tpu.memref_slice %arg18[%dma_wait3A_82, %dma_wait3A_83] : memref<10240x16xf32, #tpu.memory_space<vmem_shared>> -> memref<10240x16xf32, #tpu.memory_space<vmem_shared>>
    tpu.wait_indirect_dma semaphore(%arg32 : memref<!tpu.dma_semaphore, #tpu.memory_space<semaphore_mem>>) src(%arg11 : memref<80x16xf32, #tpu.memory_space<vmem>>) dst(%dma_wait3A_84 : memref<10240x16xf32, #tpu.memory_space<vmem_shared>>)
    %dma_wait3A_85 = arith.constant 124 : i32
    %dma_wait3A_86 = arith.constant 0 : i32
    %dma_wait3A_87 = tpu.memref_slice %arg10[%dma_wait3A_85, %dma_wait3A_86] : memref<125x80xi32, #tpu.memory_space<vmem>> -> memref<1x80xi32, #tpu.memory_space<vmem>>
    %dma_wait3A_88 = tpu.memref_squeeze %dma_wait3A_87 : memref<1x80xi32, #tpu.memory_space<vmem>> -> memref<80xi32, #tpu.memory_space<vmem>>
    %dma_wait3A_89 = arith.constant 0 : i32
    %dma_wait3A_90 = arith.constant 0 : i32
    %dma_wait3A_91 = tpu.memref_slice %arg17[%dma_wait3A_89, %dma_wait3A_90] : memref<10240x64xf32, #tpu.memory_space<vmem_shared>> -> memref<10240x64xf32, #tpu.memory_space<vmem_shared>>
    tpu.wait_indirect_dma semaphore(%arg28 : memref<!tpu.dma_semaphore, #tpu.memory_space<semaphore_mem>>) src(%arg16 : memref<80x64xf32, #tpu.memory_space<vmem>>) dst(%dma_wait3A_91 : memref<10240x64xf32, #tpu.memory_space<vmem_shared>>)
    %dma_wait3A_92 = arith.constant 124 : i32
    %dma_wait3A_93 = arith.constant 0 : i32
    %dma_wait3A_94 = tpu.memref_slice %arg10[%dma_wait3A_92, %dma_wait3A_93] : memref<125x80xi32, #tpu.memory_space<vmem>> -> memref<1x80xi32, #tpu.memory_space<vmem>>
    %dma_wait3A_95 = tpu.memref_squeeze %dma_wait3A_94 : memref<1x80xi32, #tpu.memory_space<vmem>> -> memref<80xi32, #tpu.memory_space<vmem>>
    %dma_wait3A_96 = arith.constant 0 : i32
    %dma_wait3A_97 = arith.constant 0 : i32
    %dma_wait3A_98 = tpu.memref_slice %arg18[%dma_wait3A_96, %dma_wait3A_97] : memref<10240x16xf32, #tpu.memory_space<vmem_shared>> -> memref<10240x16xf32, #tpu.memory_space<vmem_shared>>
    tpu.wait_indirect_dma semaphore(%arg33 : memref<!tpu.dma_semaphore, #tpu.memory_space<semaphore_mem>>) src(%arg11 : memref<80x16xf32, #tpu.memory_space<vmem>>) dst(%dma_wait3A_98 : memref<10240x16xf32, #tpu.memory_space<vmem_shared>>)
    %barrier3A_99 = arith.constant 0 : index
    tpu.barrier barrier_id(%barrier3A_99)
    %dma_start3A_100 = arith.constant 0 : i32
    %dma_start3A_101 = arith.constant 0 : i32
    %dma_start3A_102 = tpu.memref_slice %arg7[%arg0, %dma_start3A_100, %dma_start3A_101] : memref<2x10240x64xf32, #tpu.memory_space<hbm>> -> memref<1x10240x64xf32, #tpu.memory_space<hbm>>
    %dma_start3A_103 = tpu.memref_squeeze %dma_start3A_102 : memref<1x10240x64xf32, #tpu.memory_space<hbm>> -> memref<10240x64xf32, #tpu.memory_space<hbm>>
    %dma_start3A_104 = arith.constant 0 : i32
    %dma_start3A_105 = tpu.memref_slice %dma_start3A_103[%mul3A_2, %dma_start3A_104] : memref<10240x64xf32, #tpu.memory_space<hbm>> -> memref<640x64xf32, #tpu.memory_space<hbm>>
    %dma_start3A_106 = arith.constant 0 : i32
    %dma_start3A_107 = tpu.memref_slice %arg17[%mul3A_2, %dma_start3A_106] : memref<10240x64xf32, #tpu.memory_space<vmem_shared>> -> memref<640x64xf32, #tpu.memory_space<vmem_shared>>
    tpu.enqueue_dma source(%dma_start3A_107 : memref<640x64xf32, #tpu.memory_space<vmem_shared>>) target(%dma_start3A_105 : memref<640x64xf32, #tpu.memory_space<hbm>>) target_semaphore(%arg19 : memref<!tpu.dma_semaphore, #tpu.memory_space<semaphore_mem>>)
    %dma_start3A_108 = arith.constant 0 : i32
    %dma_start3A_109 = arith.constant 0 : i32
    %dma_start3A_110 = tpu.memref_slice %arg8[%arg0, %dma_start3A_108, %dma_start3A_109] : memref<2x10240x16xf32, #tpu.memory_space<hbm>> -> memref<1x10240x16xf32, #tpu.memory_space<hbm>>
    %dma_start3A_111 = tpu.memref_squeeze %dma_start3A_110 : memref<1x10240x16xf32, #tpu.memory_space<hbm>> -> memref<10240x16xf32, #tpu.memory_space<hbm>>
    %dma_start3A_112 = arith.constant 0 : i32
    %dma_start3A_113 = tpu.memref_slice %dma_start3A_111[%mul3A_2, %dma_start3A_112] : memref<10240x16xf32, #tpu.memory_space<hbm>> -> memref<640x16xf32, #tpu.memory_space<hbm>>
    %dma_start3A_114 = arith.constant 0 : i32
    %dma_start3A_115 = tpu.memref_slice %arg18[%mul3A_2, %dma_start3A_114] : memref<10240x16xf32, #tpu.memory_space<vmem_shared>> -> memref<640x16xf32, #tpu.memory_space<vmem_shared>>
    tpu.enqueue_dma source(%dma_start3A_115 : memref<640x16xf32, #tpu.memory_space<vmem_shared>>) target(%dma_start3A_113 : memref<640x16xf32, #tpu.memory_space<hbm>>) target_semaphore(%arg20 : memref<!tpu.dma_semaphore, #tpu.memory_space<semaphore_mem>>)
    %dma_wait3A_116 = arith.constant 0 : i32
    %dma_wait3A_117 = arith.constant 0 : i32
    %dma_wait3A_118 = tpu.memref_slice %arg7[%arg0, %dma_wait3A_116, %dma_wait3A_117] : memref<2x10240x64xf32, #tpu.memory_space<hbm>> -> memref<1x10240x64xf32, #tpu.memory_space<hbm>>
    %dma_wait3A_119 = tpu.memref_squeeze %dma_wait3A_118 : memref<1x10240x64xf32, #tpu.memory_space<hbm>> -> memref<10240x64xf32, #tpu.memory_space<hbm>>
    %dma_wait3A_120 = arith.constant 0 : i32
    %dma_wait3A_121 = tpu.memref_slice %dma_wait3A_119[%mul3A_2, %dma_wait3A_120] : memref<10240x64xf32, #tpu.memory_space<hbm>> -> memref<640x64xf32, #tpu.memory_space<hbm>>
    %dma_wait3A_122 = arith.constant 0 : i32
    %dma_wait3A_123 = tpu.memref_slice %arg17[%mul3A_2, %dma_wait3A_122] : memref<10240x64xf32, #tpu.memory_space<vmem_shared>> -> memref<640x64xf32, #tpu.memory_space<vmem_shared>>
    tpu.wait_dma2 semaphore(%arg19 : memref<!tpu.dma_semaphore, #tpu.memory_space<semaphore_mem>>) src(%dma_wait3A_123 : memref<640x64xf32, #tpu.memory_space<vmem_shared>>) dst(%dma_wait3A_121 : memref<640x64xf32, #tpu.memory_space<hbm>>)
    %dma_wait3A_124 = arith.constant 0 : i32
    %dma_wait3A_125 = arith.constant 0 : i32
    %dma_wait3A_126 = tpu.memref_slice %arg8[%arg0, %dma_wait3A_124, %dma_wait3A_125] : memref<2x10240x16xf32, #tpu.memory_space<hbm>> -> memref<1x10240x16xf32, #tpu.memory_space<hbm>>
    %dma_wait3A_127 = tpu.memref_squeeze %dma_wait3A_126 : memref<1x10240x16xf32, #tpu.memory_space<hbm>> -> memref<10240x16xf32, #tpu.memory_space<hbm>>
    %dma_wait3A_128 = arith.constant 0 : i32
    %dma_wait3A_129 = tpu.memref_slice %dma_wait3A_127[%mul3A_2, %dma_wait3A_128] : memref<10240x16xf32, #tpu.memory_space<hbm>> -> memref<640x16xf32, #tpu.memory_space<hbm>>
    %dma_wait3A_130 = arith.constant 0 : i32
    %dma_wait3A_131 = tpu.memref_slice %arg18[%mul3A_2, %dma_wait3A_130] : memref<10240x16xf32, #tpu.memory_space<vmem_shared>> -> memref<640x16xf32, #tpu.memory_space<vmem_shared>>
    tpu.wait_dma2 semaphore(%arg20 : memref<!tpu.dma_semaphore, #tpu.memory_space<semaphore_mem>>) src(%dma_wait3A_131 : memref<640x16xf32, #tpu.memory_space<vmem_shared>>) dst(%dma_wait3A_129 : memref<640x16xf32, #tpu.memory_space<hbm>>)
    return
  }
}

module attributes {stable_mosaic.version = 14 : i64} {
  func.func @_proj_body(%arg0: i32, %arg1: memref<2048x128xf32, #tpu.memory_space<vmem>>, %arg2: memref<128x64xf32, #tpu.memory_space<vmem>>, %arg3: memref<128x64xf32, #tpu.memory_space<vmem>>, %arg4: memref<1024x128xf32, #tpu.memory_space<vmem>>, %arg5: memref<1024x128xf32, #tpu.memory_space<vmem>>) attributes {dimension_semantics = [#tpu.dimension_semantics<arbitrary>], iteration_bounds = array<i64: 5>, scalar_prefetch = 0 : i64, scratch_operands = 0 : i64, tpu.core_type = #tpu.core_type<tc>, window_params = [{transform_indices = @transform_0, window_bounds = array<i64: 2048, 128>}, {pipeline_mode = #tpu.pipeline_mode<synchronous>, transform_indices = @transform_1, window_bounds = array<i64: 128, 64>}, {pipeline_mode = #tpu.pipeline_mode<synchronous>, transform_indices = @transform_2, window_bounds = array<i64: 128, 64>}, {transform_indices = @transform_3, window_bounds = array<i64: 1024, 128>}, {transform_indices = @transform_4, window_bounds = array<i64: 1024, 128>}]} {
    %get3A = arith.constant 0 : index
    %get3A_0 = arith.constant 0 : index
    %get3A_1 = vector.load %arg1[%get3A, %get3A_0] : memref<2048x128xf32, #tpu.memory_space<vmem>>, vector<2048x128xf32>
    %reshape3A = vector.shape_cast %get3A_1 : vector<2048x128xf32> to vector<1024x2x128xf32>
    %slice3A = vector.extract_strided_slice %reshape3A {offsets = [0, 0, 0], sizes = [1024, 1, 128], strides = [1, 1, 1]} : vector<1024x2x128xf32> to vector<1024x1x128xf32>
    %squeeze3A = vector.shape_cast %slice3A : vector<1024x1x128xf32> to vector<1024x128xf32>
    %slice3A_2 = vector.extract_strided_slice %reshape3A {offsets = [0, 1, 0], sizes = [1024, 1, 128], strides = [1, 1, 1]} : vector<1024x2x128xf32> to vector<1024x1x128xf32>
    %squeeze3A_3 = vector.shape_cast %slice3A_2 : vector<1024x1x128xf32> to vector<1024x128xf32>
    %get3A_4 = arith.constant 0 : index
    %get3A_5 = arith.constant 0 : index
    %get3A_6 = vector.load %arg2[%get3A_4, %get3A_5] : memref<128x64xf32, #tpu.memory_space<vmem>>, vector<128x64xf32>
    %dot_general3A = arith.constant dense<0.000000e+00> : vector<1024x64xf32>
    %dot_general3A_7 = tpu.matmul %squeeze3A, %get3A_6, %dot_general3A {dimension_numbers = #tpu.dot_dimension_numbers<[1], [0], [0], [1], [0, 0, 1, 1], [], []>, transpose_lhs_hint = false} : vector<1024x128xf32>, vector<128x64xf32>, vector<1024x64xf32> -> vector<1024x64xf32>
    %dot_general3A_8 = arith.constant dense<0.000000e+00> : vector<1024x64xf32>
    %dot_general3A_9 = tpu.matmul %squeeze3A_3, %get3A_6, %dot_general3A_8 {dimension_numbers = #tpu.dot_dimension_numbers<[1], [0], [0], [1], [0, 0, 1, 1], [], []>, transpose_lhs_hint = false} : vector<1024x128xf32>, vector<128x64xf32>, vector<1024x64xf32> -> vector<1024x64xf32>
    %concatenate3A = tpu.concatenate %dot_general3A_7, %dot_general3A_9 in 1 : vector<1024x64xf32>, vector<1024x64xf32> -> vector<1024x128xf32>
    %swap3A = arith.constant 0 : index
    %swap3A_10 = arith.constant 0 : index
    %swap3A_11 = vector.load %arg4[%swap3A, %swap3A_10] : memref<1024x128xf32, #tpu.memory_space<vmem>>, vector<1024x128xf32>
    tpu.vector_store %arg4[%swap3A, %swap3A_10], %concatenate3A {strides = array<i32>} : memref<1024x128xf32, #tpu.memory_space<vmem>>, vector<1024x128xf32>,
    %get3A_12 = arith.constant 0 : index
    %get3A_13 = arith.constant 0 : index
    %get3A_14 = vector.load %arg3[%get3A_12, %get3A_13] : memref<128x64xf32, #tpu.memory_space<vmem>>, vector<128x64xf32>
    %dot_general3A_15 = arith.constant dense<0.000000e+00> : vector<1024x64xf32>
    %dot_general3A_16 = tpu.matmul %squeeze3A, %get3A_14, %dot_general3A_15 {dimension_numbers = #tpu.dot_dimension_numbers<[1], [0], [0], [1], [0, 0, 1, 1], [], []>, transpose_lhs_hint = false} : vector<1024x128xf32>, vector<128x64xf32>, vector<1024x64xf32> -> vector<1024x64xf32>
    %dot_general3A_17 = arith.constant dense<0.000000e+00> : vector<1024x64xf32>
    %dot_general3A_18 = tpu.matmul %squeeze3A_3, %get3A_14, %dot_general3A_17 {dimension_numbers = #tpu.dot_dimension_numbers<[1], [0], [0], [1], [0, 0, 1, 1], [], []>, transpose_lhs_hint = false} : vector<1024x128xf32>, vector<128x64xf32>, vector<1024x64xf32> -> vector<1024x64xf32>
    %concatenate3A_19 = tpu.concatenate %dot_general3A_16, %dot_general3A_18 in 1 : vector<1024x64xf32>, vector<1024x64xf32> -> vector<1024x128xf32>
    %swap3A_20 = arith.constant 0 : index
    %swap3A_21 = arith.constant 0 : index
    %swap3A_22 = vector.load %arg5[%swap3A_20, %swap3A_21] : memref<1024x128xf32, #tpu.memory_space<vmem>>, vector<1024x128xf32>
    tpu.vector_store %arg5[%swap3A_20, %swap3A_21], %concatenate3A_19 {strides = array<i32>} : memref<1024x128xf32, #tpu.memory_space<vmem>>, vector<1024x128xf32>,
    return
  }
  func.func @transform_0(%arg0: i32) -> (i32, i32) {
    %c0_i32 = arith.constant 0 : i32
    %c0_i32_0 = arith.constant 0 : i32
    return %arg0, %c0_i32 : i32, i32
  }
  func.func @transform_1(%arg0: i32) -> (i32, i32) {
    %c0_i32 = arith.constant 0 : i32
    %c0_i32_0 = arith.constant 0 : i32
    %c0_i32_1 = arith.constant 0 : i32
    return %c0_i32, %c0_i32_0 : i32, i32
  }
  func.func @transform_2(%arg0: i32) -> (i32, i32) {
    %c0_i32 = arith.constant 0 : i32
    %c0_i32_0 = arith.constant 0 : i32
    %c0_i32_1 = arith.constant 0 : i32
    return %c0_i32, %c0_i32_0 : i32, i32
  }
  func.func @transform_3(%arg0: i32) -> (i32, i32) {
    %c0_i32 = arith.constant 0 : i32
    %c0_i32_0 = arith.constant 0 : i32
    return %arg0, %c0_i32 : i32, i32
  }
  func.func @transform_4(%arg0: i32) -> (i32, i32) {
    %c0_i32 = arith.constant 0 : i32
    %c0_i32_0 = arith.constant 0 : i32
    return %arg0, %c0_i32 : i32, i32
  }
}

module attributes {stable_mosaic.version = 14 : i64} {
  func.func @_mid_body(%arg0: i32, %arg1: memref<2x1024x128xf32, #tpu.memory_space<vmem>>, %arg2: memref<2x256x128xf32, #tpu.memory_space<vmem>>, %arg3: memref<1024x128xf32, #tpu.memory_space<vmem>>, %arg4: memref<1x128xf32, #tpu.memory_space<vmem>>, %arg5: memref<64x64xf32, #tpu.memory_space<vmem>>, %arg6: memref<64x64xf32, #tpu.memory_space<vmem>>, %arg7: memref<128x512xf32, #tpu.memory_space<vmem>>, %arg8: memref<1024x128xf32, #tpu.memory_space<vmem>>, %arg9: memref<1024x128xf32, #tpu.memory_space<vmem>>, %arg10: memref<1024x128xf32, #tpu.memory_space<vmem>>) attributes {dimension_semantics = [#tpu.dimension_semantics<arbitrary>], iteration_bounds = array<i64: 5>, scalar_prefetch = 0 : i64, scratch_operands = 0 : i64, tpu.core_type = #tpu.core_type<tc>, window_params = [{transform_indices = @transform_0, window_bounds = array<i64: 2, 1024, 128>}, {transform_indices = @transform_1, window_bounds = array<i64: 2, 256, 128>}, {transform_indices = @transform_2, window_bounds = array<i64: 1024, 128>}, {pipeline_mode = #tpu.pipeline_mode<synchronous>, transform_indices = @transform_3, window_bounds = array<i64: 1, 128>}, {pipeline_mode = #tpu.pipeline_mode<synchronous>, transform_indices = @transform_4, window_bounds = array<i64: 64, 64>}, {pipeline_mode = #tpu.pipeline_mode<synchronous>, transform_indices = @transform_5, window_bounds = array<i64: 64, 64>}, {pipeline_mode = #tpu.pipeline_mode<synchronous>, transform_indices = @transform_6, window_bounds = array<i64: 128, 512>}, {transform_indices = @transform_7, window_bounds = array<i64: 1024, 128>}, {transform_indices = @transform_8, window_bounds = array<i64: 1024, 128>}, {transform_indices = @transform_9, window_bounds = array<i64: 1024, 128>}]} {
    %get3A = arith.constant 0 : index
    %get3A_0 = arith.constant 0 : index
    %get3A_1 = arith.constant 0 : index
    %get3A_2 = vector.load %arg2[%get3A, %get3A_0, %get3A_1] : memref<2x256x128xf32, #tpu.memory_space<vmem>>, vector<1x256x128xf32>
    %get3A_3 = vector.shape_cast %get3A_2 : vector<1x256x128xf32> to vector<256x128xf32>
    %get3A_4 = arith.constant 1 : index
    %get3A_5 = arith.constant 0 : index
    %get3A_6 = arith.constant 0 : index
    %get3A_7 = vector.load %arg2[%get3A_4, %get3A_5, %get3A_6] : memref<2x256x128xf32, #tpu.memory_space<vmem>>, vector<1x256x128xf32>
    %get3A_8 = vector.shape_cast %get3A_7 : vector<1x256x128xf32> to vector<256x128xf32>
    %add3A = arith.addf %get3A_3, %get3A_8 : vector<256x128xf32>
    %max3A = arith.constant 1.000000e+00 : f32
    %max3A_9 = vector.broadcast %max3A : f32 to vector<256x128xf32>
    %max3A_10 = arith.maximumf %add3A, %max3A_9 : vector<256x128xf32>
    %div3A = arith.constant 1.000000e+00 : f32
    %div3A_11 = vector.broadcast %div3A : f32 to vector<256x128xf32>
    %div3A_12 = arith.divf %div3A_11, %max3A_10 : vector<256x128xf32>
    %get3A_13 = arith.constant 0 : index
    %get3A_14 = arith.constant 0 : index
    %get3A_15 = vector.load %arg7[%get3A_13, %get3A_14] : memref<128x512xf32, #tpu.memory_space<vmem>>, vector<128x512xf32>
    %dot_general3A = arith.constant dense<0.000000e+00> : vector<256x512xf32>
    %dot_general3A_16 = tpu.matmul %div3A_12, %get3A_15, %dot_general3A {dimension_numbers = #tpu.dot_dimension_numbers<[1], [0], [0], [1], [0, 0, 1, 1], [], []>, transpose_lhs_hint = false} : vector<256x128xf32>, vector<128x512xf32>, vector<256x512xf32> -> vector<256x512xf32>
    %reshape3A = vector.shape_cast %dot_general3A_16 : vector<256x512xf32> to vector<1024x128xf32>
    %swap3A = arith.constant 0 : index
    %swap3A_17 = arith.constant 0 : index
    %swap3A_18 = vector.load %arg10[%swap3A, %swap3A_17] : memref<1024x128xf32, #tpu.memory_space<vmem>>, vector<1024x128xf32>
    tpu.vector_store %arg10[%swap3A, %swap3A_17], %reshape3A {strides = array<i32>} : memref<1024x128xf32, #tpu.memory_space<vmem>>, vector<1024x128xf32>,
    %get3A_19 = arith.constant 0 : index
    %get3A_20 = arith.constant 0 : index
    %get3A_21 = arith.constant 0 : index
    %get3A_22 = vector.load %arg1[%get3A_19, %get3A_20, %get3A_21] : memref<2x1024x128xf32, #tpu.memory_space<vmem>>, vector<1x1024x128xf32>
    %get3A_23 = vector.shape_cast %get3A_22 : vector<1x1024x128xf32> to vector<1024x128xf32>
    %get3A_24 = arith.constant 1 : index
    %get3A_25 = arith.constant 0 : index
    %get3A_26 = arith.constant 0 : index
    %get3A_27 = vector.load %arg1[%get3A_24, %get3A_25, %get3A_26] : memref<2x1024x128xf32, #tpu.memory_space<vmem>>, vector<1x1024x128xf32>
    %get3A_28 = vector.shape_cast %get3A_27 : vector<1x1024x128xf32> to vector<1024x128xf32>
    %add3A_29 = arith.addf %get3A_23, %get3A_28 : vector<1024x128xf32>
    %mul3A = arith.mulf %add3A_29, %reshape3A : vector<1024x128xf32>
    %get3A_30 = arith.constant 0 : index
    %get3A_31 = arith.constant 0 : index
    %get3A_32 = vector.load %arg4[%get3A_30, %get3A_31] : memref<1x128xf32, #tpu.memory_space<vmem>>, vector<1x128xf32>
    %add3A_33 = vector.broadcast %get3A_32 : vector<1x128xf32> to vector<1024x128xf32>
    %add3A_34 = arith.addf %mul3A, %add3A_33 : vector<1024x128xf32>
    %get3A_35 = arith.constant 0 : index
    %get3A_36 = arith.constant 0 : index
    %get3A_37 = vector.load %arg3[%get3A_35, %get3A_36] : memref<1024x128xf32, #tpu.memory_space<vmem>>, vector<1024x128xf32>
    %add3A_38 = arith.addf %add3A_34, %get3A_37 : vector<1024x128xf32>
    %max3A_39 = arith.constant 0.000000e+00 : f32
    %max3A_40 = vector.broadcast %max3A_39 : f32 to vector<1024x128xf32>
    %max3A_41 = arith.maximumf %add3A_38, %max3A_40 : vector<1024x128xf32>
    %slice3A = vector.extract_strided_slice %max3A_41 {offsets = [0, 0], sizes = [1024, 64], strides = [1, 1]} : vector<1024x128xf32> to vector<1024x64xf32>
    %slice3A_42 = vector.extract_strided_slice %max3A_41 {offsets = [0, 64], sizes = [1024, 64], strides = [1, 1]} : vector<1024x128xf32> to vector<1024x64xf32>
    %get3A_43 = arith.constant 0 : index
    %get3A_44 = arith.constant 0 : index
    %get3A_45 = vector.load %arg5[%get3A_43, %get3A_44] : memref<64x64xf32, #tpu.memory_space<vmem>>, vector<64x64xf32>
    %dot_general3A_46 = arith.constant dense<0.000000e+00> : vector<1024x64xf32>
    %dot_general3A_47 = tpu.matmul %slice3A, %get3A_45, %dot_general3A_46 {dimension_numbers = #tpu.dot_dimension_numbers<[1], [0], [0], [1], [0, 0, 1, 1], [], []>, transpose_lhs_hint = false} : vector<1024x64xf32>, vector<64x64xf32>, vector<1024x64xf32> -> vector<1024x64xf32>
    %dot_general3A_48 = arith.constant dense<0.000000e+00> : vector<1024x64xf32>
    %dot_general3A_49 = tpu.matmul %slice3A_42, %get3A_45, %dot_general3A_48 {dimension_numbers = #tpu.dot_dimension_numbers<[1], [0], [0], [1], [0, 0, 1, 1], [], []>, transpose_lhs_hint = false} : vector<1024x64xf32>, vector<64x64xf32>, vector<1024x64xf32> -> vector<1024x64xf32>
    %concatenate3A = tpu.concatenate %dot_general3A_47, %dot_general3A_49 in 1 : vector<1024x64xf32>, vector<1024x64xf32> -> vector<1024x128xf32>
    %swap3A_50 = arith.constant 0 : index
    %swap3A_51 = arith.constant 0 : index
    %swap3A_52 = vector.load %arg8[%swap3A_50, %swap3A_51] : memref<1024x128xf32, #tpu.memory_space<vmem>>, vector<1024x128xf32>
    tpu.vector_store %arg8[%swap3A_50, %swap3A_51], %concatenate3A {strides = array<i32>} : memref<1024x128xf32, #tpu.memory_space<vmem>>, vector<1024x128xf32>,
    %slice3A_53 = vector.extract_strided_slice %max3A_41 {offsets = [0, 0], sizes = [1024, 64], strides = [1, 1]} : vector<1024x128xf32> to vector<1024x64xf32>
    %slice3A_54 = vector.extract_strided_slice %max3A_41 {offsets = [0, 64], sizes = [1024, 64], strides = [1, 1]} : vector<1024x128xf32> to vector<1024x64xf32>
    %get3A_55 = arith.constant 0 : index
    %get3A_56 = arith.constant 0 : index
    %get3A_57 = vector.load %arg6[%get3A_55, %get3A_56] : memref<64x64xf32, #tpu.memory_space<vmem>>, vector<64x64xf32>
    %dot_general3A_58 = arith.constant dense<0.000000e+00> : vector<1024x64xf32>
    %dot_general3A_59 = tpu.matmul %slice3A_53, %get3A_57, %dot_general3A_58 {dimension_numbers = #tpu.dot_dimension_numbers<[1], [0], [0], [1], [0, 0, 1, 1], [], []>, transpose_lhs_hint = false} : vector<1024x64xf32>, vector<64x64xf32>, vector<1024x64xf32> -> vector<1024x64xf32>
    %dot_general3A_60 = arith.constant dense<0.000000e+00> : vector<1024x64xf32>
    %dot_general3A_61 = tpu.matmul %slice3A_54, %get3A_57, %dot_general3A_60 {dimension_numbers = #tpu.dot_dimension_numbers<[1], [0], [0], [1], [0, 0, 1, 1], [], []>, transpose_lhs_hint = false} : vector<1024x64xf32>, vector<64x64xf32>, vector<1024x64xf32> -> vector<1024x64xf32>
    %concatenate3A_62 = tpu.concatenate %dot_general3A_59, %dot_general3A_61 in 1 : vector<1024x64xf32>, vector<1024x64xf32> -> vector<1024x128xf32>
    %swap3A_63 = arith.constant 0 : index
    %swap3A_64 = arith.constant 0 : index
    %swap3A_65 = vector.load %arg9[%swap3A_63, %swap3A_64] : memref<1024x128xf32, #tpu.memory_space<vmem>>, vector<1024x128xf32>
    tpu.vector_store %arg9[%swap3A_63, %swap3A_64], %concatenate3A_62 {strides = array<i32>} : memref<1024x128xf32, #tpu.memory_space<vmem>>, vector<1024x128xf32>,
    return
  }
  func.func @transform_0(%arg0: i32) -> (i32, i32, i32) {
    %c0_i32 = arith.constant 0 : i32
    %c0_i32_0 = arith.constant 0 : i32
    %c0_i32_1 = arith.constant 0 : i32
    return %c0_i32, %arg0, %c0_i32_0 : i32, i32, i32
  }
  func.func @transform_1(%arg0: i32) -> (i32, i32, i32) {
    %c0_i32 = arith.constant 0 : i32
    %c0_i32_0 = arith.constant 0 : i32
    %c0_i32_1 = arith.constant 0 : i32
    return %c0_i32, %arg0, %c0_i32_0 : i32, i32, i32
  }
  func.func @transform_2(%arg0: i32) -> (i32, i32) {
    %c0_i32 = arith.constant 0 : i32
    %c0_i32_0 = arith.constant 0 : i32
    return %arg0, %c0_i32 : i32, i32
  }
  func.func @transform_3(%arg0: i32) -> (i32, i32) {
    %c0_i32 = arith.constant 0 : i32
    %c0_i32_0 = arith.constant 0 : i32
    %c0_i32_1 = arith.constant 0 : i32
    return %c0_i32, %c0_i32_0 : i32, i32
  }
  func.func @transform_4(%arg0: i32) -> (i32, i32) {
    %c0_i32 = arith.constant 0 : i32
    %c0_i32_0 = arith.constant 0 : i32
    %c0_i32_1 = arith.constant 0 : i32
    return %c0_i32, %c0_i32_0 : i32, i32
  }
  func.func @transform_5(%arg0: i32) -> (i32, i32) {
    %c0_i32 = arith.constant 0 : i32
    %c0_i32_0 = arith.constant 0 : i32
    %c0_i32_1 = arith.constant 0 : i32
    return %c0_i32, %c0_i32_0 : i32, i32
  }
  func.func @transform_6(%arg0: i32) -> (i32, i32) {
    %c0_i32 = arith.constant 0 : i32
    %c0_i32_0 = arith.constant 0 : i32
    %c0_i32_1 = arith.constant 0 : i32
    return %c0_i32, %c0_i32_0 : i32, i32
  }
  func.func @transform_7(%arg0: i32) -> (i32, i32) {
    %c0_i32 = arith.constant 0 : i32
    %c0_i32_0 = arith.constant 0 : i32
    return %arg0, %c0_i32 : i32, i32
  }
  func.func @transform_8(%arg0: i32) -> (i32, i32) {
    %c0_i32 = arith.constant 0 : i32
    %c0_i32_0 = arith.constant 0 : i32
    return %arg0, %c0_i32 : i32, i32
  }
  func.func @transform_9(%arg0: i32) -> (i32, i32) {
    %c0_i32 = arith.constant 0 : i32
    %c0_i32_0 = arith.constant 0 : i32
    return %arg0, %c0_i32 : i32, i32
  }
}

module attributes {stable_mosaic.version = 14 : i64} {
  func.func @_out_body(%arg0: i32, %arg1: memref<2x1024x128xf32, #tpu.memory_space<vmem>>, %arg2: memref<1024x128xf32, #tpu.memory_space<vmem>>, %arg3: memref<1024x128xf32, #tpu.memory_space<vmem>>, %arg4: memref<1x128xf32, #tpu.memory_space<vmem>>, %arg5: memref<64x2xf32, #tpu.memory_space<vmem>>, %arg6: memref<1x4xf32, #tpu.memory_space<vmem>>, %arg7: memref<1024x4xf32, #tpu.memory_space<vmem>>) attributes {dimension_semantics = [#tpu.dimension_semantics<arbitrary>], iteration_bounds = array<i64: 5>, scalar_prefetch = 0 : i64, scratch_operands = 0 : i64, tpu.core_type = #tpu.core_type<tc>, window_params = [{transform_indices = @transform_0, window_bounds = array<i64: 2, 1024, 128>}, {transform_indices = @transform_1, window_bounds = array<i64: 1024, 128>}, {transform_indices = @transform_2, window_bounds = array<i64: 1024, 128>}, {pipeline_mode = #tpu.pipeline_mode<synchronous>, transform_indices = @transform_3, window_bounds = array<i64: 1, 128>}, {pipeline_mode = #tpu.pipeline_mode<synchronous>, transform_indices = @transform_4, window_bounds = array<i64: 64, 2>}, {pipeline_mode = #tpu.pipeline_mode<synchronous>, transform_indices = @transform_5, window_bounds = array<i64: 1, 4>}, {transform_indices = @transform_6, window_bounds = array<i64: 1024, 4>}]} {
    %get3A = arith.constant 0 : index
    %get3A_0 = arith.constant 0 : index
    %get3A_1 = arith.constant 0 : index
    %get3A_2 = vector.load %arg1[%get3A, %get3A_0, %get3A_1] : memref<2x1024x128xf32, #tpu.memory_space<vmem>>, vector<1x1024x128xf32>
    %get3A_3 = vector.shape_cast %get3A_2 : vector<1x1024x128xf32> to vector<1024x128xf32>
    %get3A_4 = arith.constant 1 : index
    %get3A_5 = arith.constant 0 : index
    %get3A_6 = arith.constant 0 : index
    %get3A_7 = vector.load %arg1[%get3A_4, %get3A_5, %get3A_6] : memref<2x1024x128xf32, #tpu.memory_space<vmem>>, vector<1x1024x128xf32>
    %get3A_8 = vector.shape_cast %get3A_7 : vector<1x1024x128xf32> to vector<1024x128xf32>
    %add3A = arith.addf %get3A_3, %get3A_8 : vector<1024x128xf32>
    %get3A_9 = arith.constant 0 : index
    %get3A_10 = arith.constant 0 : index
    %get3A_11 = vector.load %arg2[%get3A_9, %get3A_10] : memref<1024x128xf32, #tpu.memory_space<vmem>>, vector<1024x128xf32>
    %mul3A = arith.mulf %add3A, %get3A_11 : vector<1024x128xf32>
    %get3A_12 = arith.constant 0 : index
    %get3A_13 = arith.constant 0 : index
    %get3A_14 = vector.load %arg4[%get3A_12, %get3A_13] : memref<1x128xf32, #tpu.memory_space<vmem>>, vector<1x128xf32>
    %add3A_15 = vector.broadcast %get3A_14 : vector<1x128xf32> to vector<1024x128xf32>
    %add3A_16 = arith.addf %mul3A, %add3A_15 : vector<1024x128xf32>
    %get3A_17 = arith.constant 0 : index
    %get3A_18 = arith.constant 0 : index
    %get3A_19 = vector.load %arg3[%get3A_17, %get3A_18] : memref<1024x128xf32, #tpu.memory_space<vmem>>, vector<1024x128xf32>
    %add3A_20 = arith.addf %add3A_16, %get3A_19 : vector<1024x128xf32>
    %max3A = arith.constant 0.000000e+00 : f32
    %max3A_21 = vector.broadcast %max3A : f32 to vector<1024x128xf32>
    %max3A_22 = arith.maximumf %add3A_20, %max3A_21 : vector<1024x128xf32>
    %slice3A = vector.extract_strided_slice %max3A_22 {offsets = [0, 0], sizes = [1024, 64], strides = [1, 1]} : vector<1024x128xf32> to vector<1024x64xf32>
    %slice3A_23 = vector.extract_strided_slice %max3A_22 {offsets = [0, 64], sizes = [1024, 64], strides = [1, 1]} : vector<1024x128xf32> to vector<1024x64xf32>
    %get3A_24 = arith.constant 0 : index
    %get3A_25 = arith.constant 0 : index
    %get3A_26 = vector.load %arg5[%get3A_24, %get3A_25] : memref<64x2xf32, #tpu.memory_space<vmem>>, vector<64x2xf32>
    %dot_general3A = arith.constant dense<0.000000e+00> : vector<1024x2xf32>
    %dot_general3A_27 = tpu.matmul %slice3A, %get3A_26, %dot_general3A {dimension_numbers = #tpu.dot_dimension_numbers<[1], [0], [0], [1], [0, 0, 1, 1], [], []>, transpose_lhs_hint = false} : vector<1024x64xf32>, vector<64x2xf32>, vector<1024x2xf32> -> vector<1024x2xf32>
    %dot_general3A_28 = arith.constant dense<0.000000e+00> : vector<1024x2xf32>
    %dot_general3A_29 = tpu.matmul %slice3A_23, %get3A_26, %dot_general3A_28 {dimension_numbers = #tpu.dot_dimension_numbers<[1], [0], [0], [1], [0, 0, 1, 1], [], []>, transpose_lhs_hint = false} : vector<1024x64xf32>, vector<64x2xf32>, vector<1024x2xf32> -> vector<1024x2xf32>
    %concatenate3A = tpu.concatenate %dot_general3A_27, %dot_general3A_29 in 1 : vector<1024x2xf32>, vector<1024x2xf32> -> vector<1024x4xf32>
    %get3A_30 = arith.constant 0 : index
    %get3A_31 = arith.constant 0 : index
    %get3A_32 = vector.load %arg6[%get3A_30, %get3A_31] : memref<1x4xf32, #tpu.memory_space<vmem>>, vector<1x4xf32>
    %add3A_33 = vector.broadcast %get3A_32 : vector<1x4xf32> to vector<1024x4xf32>
    %add3A_34 = arith.addf %concatenate3A, %add3A_33 : vector<1024x4xf32>
    %swap3A = arith.constant 0 : index
    %swap3A_35 = arith.constant 0 : index
    %swap3A_36 = vector.load %arg7[%swap3A, %swap3A_35] : memref<1024x4xf32, #tpu.memory_space<vmem>>, vector<1024x4xf32>
    tpu.vector_store %arg7[%swap3A, %swap3A_35], %add3A_34 {strides = array<i32>} : memref<1024x4xf32, #tpu.memory_space<vmem>>, vector<1024x4xf32>,
    return
  }
  func.func @transform_0(%arg0: i32) -> (i32, i32, i32) {
    %c0_i32 = arith.constant 0 : i32
    %c0_i32_0 = arith.constant 0 : i32
    %c0_i32_1 = arith.constant 0 : i32
    return %c0_i32, %arg0, %c0_i32_0 : i32, i32, i32
  }
  func.func @transform_1(%arg0: i32) -> (i32, i32) {
    %c0_i32 = arith.constant 0 : i32
    %c0_i32_0 = arith.constant 0 : i32
    return %arg0, %c0_i32 : i32, i32
  }
  func.func @transform_2(%arg0: i32) -> (i32, i32) {
    %c0_i32 = arith.constant 0 : i32
    %c0_i32_0 = arith.constant 0 : i32
    return %arg0, %c0_i32 : i32, i32
  }
  func.func @transform_3(%arg0: i32) -> (i32, i32) {
    %c0_i32 = arith.constant 0 : i32
    %c0_i32_0 = arith.constant 0 : i32
    %c0_i32_1 = arith.constant 0 : i32
    return %c0_i32, %c0_i32_0 : i32, i32
  }
  func.func @transform_4(%arg0: i32) -> (i32, i32) {
    %c0_i32 = arith.constant 0 : i32
    %c0_i32_0 = arith.constant 0 : i32
    %c0_i32_1 = arith.constant 0 : i32
    return %c0_i32, %c0_i32_0 : i32, i32
  }
  func.func @transform_5(%arg0: i32) -> (i32, i32) {
    %c0_i32 = arith.constant 0 : i32
    %c0_i32_0 = arith.constant 0 : i32
    %c0_i32_1 = arith.constant 0 : i32
    return %c0_i32, %c0_i32_0 : i32, i32
  }
  func.func @transform_6(%arg0: i32) -> (i32, i32) {
    %c0_i32 = arith.constant 0 : i32
    %c0_i32_0 = arith.constant 0 : i32
    return %arg0, %c0_i32 : i32, i32
  }
}

</mosaic_0001>

<sc_bundles>
// kernel: kernel.10.cloned.1.call-start
scs
__scs_entry_jumppad:
0x0: {  	(pc) =	sbr.rel $0x88, $3  }
0x1: {  	(tag) =	ssettag $0x0;
	lr =	simm.s32 $0x1  }
0x2: {  	[smem:$0x3F97] =	sst lr;
	_ =	strace $0xD0000000  }
0x3: {  	_ = 	snop  }
0x4: {  	_ = 	snop  }
0x5: {  	_ = 	snop  }
0x6: {  	_ = 	snop  }
0x7: {  	_ = 	snop  }
__scs_overlays_trampoline_lowered:
0x8: {  	[smem:$0x3FA6] =	sst s0  }
0x9: {  	[smem:$0x3FA7] =	sst s1  }
0xa: {  	[smem:$0x3FA8] =	sst s2  }
0xb: {  	[smem:$0x3FA9] =	sst s3  }
0xc: {  	[smem:$0x3FAA] =	sst s4  }
0xd: {  	[smem:$0x3FAB] =	sst s5  }
0xe: {  	[smem:$0x3FAC] =	sst s6  }
0xf: {  	[smem:$0x3FAD] =	sst s7  }
0x10: {  	[smem:$0x3FAE] =	sst s8  }
0x11: {  	[smem:$0x3FAF] =	sst s9;
	s0 =	simm.s32 @!p0 $0x0  }
0x12: {  	s1 =	sld [smem:$0x3F95];
	s0 =	simm.s32 @p0 $0x1  }
0x13: {  	[smem:$0x3FB0] =	sst s0;
	s0 =	simm.s32 @!p1 $0x0  }
0x14: {  	s2 =	sld [smem:$0x3F94];
	s0 =	simm.s32 @p1 $0x1  }
0x15: {  	[smem:$0x3FB1] =	sst s0;
	s0 =	simm.s32 @!p2 $0x0  }
0x16: {  	s3 =	sld [smem:$0x3FDB];
	s0 =	simm.s32 @p2 $0x1  }
0x17: {  	s4 =	simm.s32 $0x1BF5;
	[smem:$0x3FB3] =	sst s0  }
0x18: {  	s0 =	sld [smem:$0x3F96];
	_ =	swait.ge [sflag:s4], $0x0  }
0x19: {  	s7 =	sld [smem:$0x3F97]  }
0x1a: {  	s8 =	sadd.s32 $0xFFFFE003, lr  }
0x1b: {  	s9 =	sadd.s32 $0xFFFFFEF7, lr;
	s5 =	simm.s32 $0xFFFFFFFF;
	p2 =	slt.u32 s8, $0xFFFFF086  }
0x1c: {  	p1 =	slt.u32 s9, $0xF7A;
	s5 =	simm.s32 @!p2 $0x0  }
0x1d: {  	s5 =	simm.s32 @p1 $0x1;
	p0 =	seq.s32 s7, s2  }
0x1e: {  	s7 =	smul.u32 @!p0 $0xF7A, s2;
	p2 =	seq.s32 @!p0 s5, $0x0  }
0x1f: {  	s9 =	smul.u32 $0xF7A, s1;
	s8 =	simm.s32 @!p0 $0x1BF5;
	p2 =	por !p2, p0  }
0x20: {  	[sflag:s8] =	ssyncset.s32 @!p0 $0xFFFFF086;
	s6 =	sadd.s32 @!p0 s3, s7;
	s7 =	simm.s32 @!p0 $0x108  }
0x21: {  	s3 =	sadd.s32 s3, s9;
	s6 =	sadd.s32 @!p0 $0x88, s6;
	s7 =	simm.s32 @p2 $0x1082  }
0x22: {  	[simem:s7], [sflag:s8] =	dma.local @!p0 [hbm:s6], $0xF7A  }
0x23: {  	s9 =	sor.u32 $0xD0000000, s2;
	s6 =	simm.s32 $0x108;
	_ =	swait.ge @!p0 [sflag:s8], $0x0  }
0x24: {  	s3 =	sadd.s32 $0x88, s3;
	s6 =	simm.s32 @!p1 $0x1082;
	[sflag:s4] =	ssyncset.s32 $0xFFFFF086  }
0x25: {  	[simem:s6], [sflag:s4] =	dma.local [hbm:s3], $0xF7A  }
0x26: {  	[smem:$0x3F97] =	sst s1;
	(tag) =	ssettag s2;
	_ =	strace s9  }
0x27: {  	s1 =	sld [smem:$0x3FA7]  }
0x28: {  	s2 =	sld [smem:$0x3FA8]  }
0x29: {  	s4 =	sld [smem:$0x3FAA]  }
0x2a: {  	p0 =	seq.s32 s5, $0x0;
	s5 =	sld [smem:$0x3FAB]  }
0x2b: {  	s6 =	sld [smem:$0x3FAC]  }
0x2c: {  	s7 =	sld [smem:$0x3FAD]  }
0x2d: {  	s3 =	simm.s32 $0x108;
	s8 =	sld [smem:$0x3FAE]  }
0x2e: {  	s3 =	simm.s32 @!p0 $0x1082;
	s9 =	sld [smem:$0x3FAF]  }
0x2f: {  	lr =	sadd.s32 s0, s3;
	s0 =	sld [smem:$0x3FA6]  }
0x30: {  	s3 =	sld [smem:$0x3FA9]  }
0x31: {  	[smem:$0x3FB2] =	sst s10  }
0x32: {  	s10 =	sld [smem:$0x3FB0];
	_ =	sdelay $0x3  }
0x33: {  	p0 =	seq.s32 s10, $0x1;
	s10 =	sld [smem:$0x3FB2];
	_ =	sdelay $0x3  }
0x34: {  	[smem:$0x3FB2] =	sst s10  }
0x35: {  	s10 =	sld [smem:$0x3FB1];
	_ =	sdelay $0x3  }
0x36: {  	p1 =	seq.s32 s10, $0x1;
	s10 =	sld [smem:$0x3FB2];
	_ =	sdelay $0x3  }
0x37: {  	[smem:$0x3FB2] =	sst s10  }
0x38: {  	s10 =	sld [smem:$0x3FB3]  }
0x39: {  	_ = 	snop;
	(pc) =	sbr.ind lr, $3  }
0x3a: {  	_ = 	snop  }
0x3b: {  	_ = 	snop  }
0x3c: {  	p2 =	seq.s32 s10, $0x1;
	s10 =	sld [smem:$0x3FB2]  }
0x3d: {  	_ =	shalt  }
0x3e: {  	_ =	shalt  }
0x3f: {  	_ =	shalt  }
0x40: {  	_ =	shalt  }
0x41: {  	_ =	shalt  }
0x42: {  	_ =	shalt  }
0x43: {  	_ =	shalt  }
0x44: {  	_ =	shalt  }
0x45: {  	_ =	shalt  }
0x46: {  	_ =	shalt  }
0x47: {  	_ =	shalt  }
0x48: {  	_ =	shalt  }
0x49: {  	_ =	shalt  }
0x4a: {  	_ =	shalt  }
0x4b: {  	_ =	shalt  }
0x4c: {  	_ =	shalt  }
0x4d: {  	_ =	shalt  }
0x4e: {  	_ =	shalt  }
0x4f: {  	_ =	shalt  }
0x50: {  	_ =	shalt  }
0x51: {  	_ =	shalt  }
0x52: {  	_ =	shalt  }
0x53: {  	_ =	shalt  }
0x54: {  	_ =	shalt  }
0x55: {  	_ =	shalt  }
0x56: {  	_ =	shalt  }
0x57: {  	_ =	shalt  }
0x58: {  	_ =	shalt  }
0x59: {  	_ =	shalt  }
0x5a: {  	_ =	shalt  }
0x5b: {  	_ =	shalt  }
0x5c: {  	_ =	shalt  }
0x5d: {  	_ =	shalt  }
0x5e: {  	_ =	shalt  }
0x5f: {  	_ =	shalt  }
0x60: {  	_ =	shalt  }
0x61: {  	_ =	shalt  }
0x62: {  	_ =	shalt  }
0x63: {  	_ =	shalt  }
0x64: {  	_ =	shalt  }
0x65: {  	_ =	shalt  }
0x66: {  	_ =	shalt  }
0x67: {  	_ =	shalt  }
0x68: {  	_ =	shalt  }
0x69: {  	_ =	shalt  }
0x6a: {  	_ =	shalt  }
0x6b: {  	_ =	shalt  }
0x6c: {  	_ =	shalt  }
0x6d: {  	_ =	shalt  }
0x6e: {  	_ =	shalt  }
0x6f: {  	_ =	shalt  }
0x70: {  	_ =	shalt  }
0x71: {  	_ =	shalt  }
0x72: {  	_ =	shalt  }
0x73: {  	_ =	shalt  }
0x74: {  	_ =	shalt  }
0x75: {  	_ =	shalt  }
0x76: {  	_ =	shalt  }
0x77: {  	_ =	shalt  }
0x78: {  	_ =	shalt  }
0x79: {  	_ =	shalt  }
0x7a: {  	_ =	shalt  }
0x7b: {  	_ =	shalt  }
0x7c: {  	_ =	shalt  }
0x7d: {  	_ =	shalt  }
0x7e: {  	_ =	shalt  }
0x7f: {  	_ =	shalt  }
0x80: {  	_ =	shalt  }
0x81: {  	_ =	shalt  }
0x82: {  	_ =	shalt  }
0x83: {  	_ =	shalt  }
0x84: {  	_ =	shalt  }
0x85: {  	_ =	shalt  }
0x86: {  	_ =	shalt  }
0x87: {  	_ =	shalt  }
.Lfunc_end0:
.L_simem_size_0:
called_computation.1_lowered:
.L_overlay_start_0:
0x88: {  	s2 =	sld [smem:$0x3FD9]  }
0x89: {  	s3 =	sld [smem:$0x3FFE];
	_ =	sdelay $0x1  }
0x8a: {  	s1 =	srdreg.scid  }
0x8b: {  	s0 =	sand.u32 $0x1, s1  }
0x8c: {  	s16 =	sshll.u32 s0, $0xA;
	s2 =	sadd.s32 s3, s2  }
0x8d: {  	s2 =	sadd.s32 s2, s16  }
0x8e: {  	[smem:$0x3FBE] =	sst s2  }
0x8f: {  	_ = 	snop  }
0x90: {  	(tm) =	ssettm $0x1  }
0x91: {  	s17 =	sld [smem:$0x3FFB];
	_ =	sdelay $0x3  }
0x92: {  	_ =	strace s17  }
0x93: {  	s2 =	sld [smem:$0x3FFC];
	_ =	sdelay $0x3  }
0x94: {  	_ =	strace s2  }
0x95: {  	s2 =	sld [smem:$0x3FFD];
	_ =	sdelay $0x3  }
0x96: {  	_ =	strace s2  }
0x97: {  	_ =	strace $0x8FFFFFFF  }
0x98: {  	s18 =	sld [smem:$0x3FDB];
	_ =	sdelay $0x1  }
0x99: {  	s19 =	simm.s32 $_scs_section_size  }
0x9a: {  	s4 =	simm.s32 $_size__tile_overlayer_lowered;
	s5 =	simm.s32 $_tile_overlayer_lowered  }
0x9b: {  	s22 =	simm.s32 $0x1BFF;
	s21 =	sshll.u32 s5, $0x1;
	s2 =	sadd.s32 s19, s18  }
0x9c: {  	s6 =	simm.s32 $0x0;
	s20 =	sshll.u32 s4, $0x1;
	s4 =	sadd.s32 s21, s2  }
0x9d: {  	[timem:s6], [sflag:s22] =	dma.local [hbm:s4], s20  }
0x9e: {  	_ =	swait.ge [sflag:s22], s20  }
0x9f: {  	s3 =	ssub.s32 $0x0, s20;
	[sflag:s22] =	ssyncset.done $0x0  }
0xa0: {  	[sflag:s22] =	ssyncadd.s32 s3;
	_ =	sdelay $0x1  }
0xa1: {  	s23 =	simm.s32 $0x1B8B  }
0xa2: {  	_ =	swait.ge [sflag:s23], $0x1  }
0xa3: {  	[sflag:s23] =	ssyncset.done $0x0  }
0xa4: {  	s25 =	simm.s32 $0x1B8E;
	s24 =	sld [smem:$0x3FFE];
	[sflag:s23] =	ssyncadd.s32 $0xFFFFFFFF  }
0xa5: {  	s26 =	simm.s32 $execute0_lowered;
	[smem:$0x3FD2] =	sst s25  }
0xa6: {  	s4 =	sshll.u32 s26, $0x1;
	_ =	strace $0x80000049;
	[dreg:$0x1] =	wrdreg $0xFFFFFFFF  }
0xa7: {  	s28 =	simm.s32 $_size_execute0_lowered;
	s2 =	sadd.s32 s2, s4;
	[dreg:$0x0] =	wrdreg $0x0  }
0xa8: {  	s4 =	sshll.u32 s28, $0x1;
	[dreg:$0x2] =	wrdreg s2  }
0xa9: {  	[dreg:$0x3] =	wrdreg s4  }
0xaa: {  	[dreg:$0x4] =	wrdreg $0xC0  }
0xab: {  	_ =	task [dreg:s6], $0x5FFFF  }
0xac: {  	[dreg:$0x1] =	wrdreg $0xFFFFFFFF  }
0xad: {  	[dreg:$0x0] =	wrdreg $0x60  }
0xae: {  	[dreg:$0x2] =	wrdreg s24  }
0xaf: {  	[dreg:$0x3] =	wrdreg $0xB2200  }
0xb0: {  	[dreg:$0x4] =	wrdreg $0x9  }
0xb1: {  	_ =	task.clear_ibuf [dreg:s6], $0x5FFFF;
	_ =	strace $0x90000049  }
0xb2: {  	s29 =	simm.s32 $0x9;
	_ =	strace $0x8000004B  }
0xb3: {  	_ =	swait.ge [sflag:s29], $0x1  }
0xb4: {  	[sflag:s29] =	ssyncadd.s32 $0xFFFFFFFF  }
0xb5: {  	_ =	strace $0x9000004B  }
0xb6: {  	_ =	sfence  }
0xb7: {  	s30 =	sld [smem:$0x0];
	_ =	sdelay $0x2  }
0xb8: {  	s31 =	sshll.u32 s1, $0xD;
	s1 =	sshrl.u32 s1, $0x2  }
0xb9: {  	s3 =	sand.u32 $0x4000, s31;
	s1 =	sadd.s32 s1, s30  }
0xba: {  	s0 =	sor.u32 s3, s0;
	s1 =	sshll.u32 s1, $0x11  }
0xbb: {  	s0 =	sor.u32 s1, s0  }
0xbc: {  	s0 =	sadd.s32 $0x8F2B, s0  }
0xbd: {  	[sflag:s0] =	ssyncadd.remote.s32 $0x1  }
0xbe: {  	_ =	sfence.sel $0xFFFF  }
0xbf: {  	[dreg:$0x0] =	wrdreg $0xFFFFFFFF;
	(pc) =	sbr.abs _section_cstart, $3  }
0xc0: {  	[dreg:$0x1] =	wrdreg $0xFFFFFFFF  }
0xc1: {  	_ =	task.clear_ibuf [dreg:s6], $0x2FFFF;
	_ =	strace $0x9FFFFFFF  }
0xc2: {  	(tm) =	ssettm $0x7FFFFFFF  }
0xc3: {  	_ =	shalt  }
tec
execute0_lowered:
.L_overlay_start_1:
0x0: {  	(tag) =	ssettag $0x1  }
0x1: {  	s0 =	srdreg.scid;
	s1 =	rddreg [dreg:$0x0]  }
0x2: {  	s2 =	rddreg [dreg:$0x1];
	s7 =	stileid.u32  }
0x3: {  	s3 =	simm.s32 $0x0;
	s11 =	simm.s32 $0x2710;
	s12 =	simm.s32 $0x1  }
0x4: {  	s13 =	simm.s32 $0x2;
	s14 =	simm.s32 $0x3;
	s15 =	simm.s32 $0x50  }
0x5: {  	s16 =	simm.s32 $0x4E20;
	s17 =	simm.s32 $0x6220;
	s19 =	simm.s32 $0x7620  }
0x6: {  	s21 =	simm.s32 $0x8A20;
	s23 =	simm.s32 $0x9E20;
	s30 =	simm.s32 $0x7  }
0x7: {  	s22 =	simm.s32 $0x5;
	s28 =	simm.s32 $0x9;
	s29 =	simm.s32 $0xA  }
0x8: {  	s31 =	simm.s32 $0x0;
	s0 =	sand.u32 $0x1, s0;
	[smem:$0x7FF] =	sst s3  }
0x9: {  	s9 =	smul.u32 $0xA000, s7;
	s26 =	sshll.u32 s7, $0x6;
	s4 =	sshll.u32 s0, $0x4  }
0xa: {  	s6 =	smul.u32 $0x14000, s0;
	s0 =	ssub.s32 $0x2, s0;
	s4 =	sor.u32 s7, s4  }
0xb: {  	_ =	strace $0x8000004A;
	s25 =	sshrl.u32 s0, $0x1;
	s5 =	smul.u32 $0x2710, s4  }
0xc: {  	s10 =	sadd.s32 s9, s2;
	s18 =	sshrl.u32 s9, $0x3;
	s4 =	sadd.s32 $0x16400, s1  }
0xd: {  	s0 =	ssub.s32 s0, s25;
	s10 =	sshrl.u32 s10, $0x3;
	s5 =	sshrl.u32 s5, $0x3  }
0xe: {  	s9 =	smax.u32 s0, $0x1;
	s0 =	simm.s32 $0x4;
	s8 =	sadd.s32 s5, s1  }
0xf: {  	s5 =	sadd.s32 $0x2A400, s1;
	s1 =	sadd.s32 s6, s1;
	s6 =	sor.u32 $0x1C01, s26  }
0x10: {  	s26 =	simm.s32 $0x6;
	s7 =	sadd.s32 $0x2A00, s8;
	s1 =	sadd.s32 $0x2B800, s1  }
0x11: {  	s8 =	sadd.s32 $0xC640, s8;
	s24 =	sadd.s32 s18, s1;
	s18 =	simm.s32 $0x8  }
.LBB2_1:
0x12: {  	[spmem:s10], [sflag:s6] =	dma.local [hbm:s5], $0x1400  }
0x13: {  	[tilespmem:s3], [sflag:$0x2] =	stream.linear.gather [hbm4b:s7+s3], $0x2710, $0x38;
	[tilespmem:$0x15220] =	vst v63  }
0x14: {  	_ = 	snop  }
0x15: {  	[tilespmem:s11], [sflag:$0x3] =	stream.linear.gather [hbm4b:s8+s3], $0x2710, $0x38;
	[tilespmem:$0x15220] =	vst v63  }
0x16: {  	_ =	swait.ge [sflag:s12], $0x1400  }
0x17: {  	[sflag:s12] =	ssyncset.done $0x0  }
0x18: {  	[sflag:s12] =	ssyncadd.s32 $0xFFFFEC00  }
0x19: {  	_ =	swait.ge [sflag:s13], $0x2710  }
0x1a: {  	[sflag:s13] =	ssyncset.done $0x0  }
0x1b: {  	[sflag:s13] =	ssyncadd.s32 $0xFFFFD8F0  }
0x1c: {  	_ =	swait.ge [sflag:s14], $0x2710  }
0x1d: {  	[sflag:s14] =	ssyncset.done $0x0  }
0x1e: {  	[sflag:s14] =	ssyncadd.s32 $0xFFFFD8F0  }
0x1f: {  	[bflag:$0x0] =	sbarrier.arrive $0xFFFF  }
0x20: {  	[tilespmem:s16], [sflag:$0x1] =	stream.indirect.gather [hbm4b:s4+s15], $0x40, s3, s15, $0xb8;
	[tilespmem:$0x15220] =	vst v63  }
0x21: {  	_ = 	snop  }
0x22: {  	[tilespmem:s17], [sflag:$0x2] =	stream.indirect.gather [hbm4b:s4+s15], $0x40, s15, s15, $0xb8;
	[tilespmem:$0x15220] =	vst v63  }
0x23: {  	s1 =	simm.s32 $0xA0  }
0x24: {  	[tilespmem:s19], [sflag:$0x3] =	stream.indirect.gather [hbm4b:s4+s15], $0x40, s1, s15, $0xb8;
	[tilespmem:$0x15220] =	vst v63  }
0x25: {  	s20 =	simm.s32 $0xF0  }
0x26: {  	[tilespmem:s21], [sflag:$0x4] =	stream.indirect.gather [hbm4b:s4+s15], $0x40, s20, s15, $0xb8;
	[tilespmem:$0x15220] =	vst v63  }
0x27: {  	_ =	swait.ge [sflag:s12], $0x1400  }
0x28: {  	[sflag:s12] =	ssyncset.done $0x0  }
0x29: {  	[sflag:s12] =	ssyncadd.s32 $0xFFFFEC00  }
0x2a: {  	[spmem:s2] =	stream.indirect.scatter.add.f32 [tilespmem:s16], [sflag:$0x6], $0x40, s11, s15, $0xb8;
	[tilespmem:$0x15220] =	vst v63  }
0x2b: {  	s25 =	simm.s32 $0x140  }
0x2c: {  	[tilespmem:s23], [sflag:$0x5] =	stream.indirect.gather [hbm4b:s4+s15], $0x40, s25, s15, $0xb8;
	[tilespmem:$0x15220] =	vst v63  }
0x2d: {  	_ =	swait.ge [sflag:s13], $0x1400  }
0x2e: {  	[sflag:s13] =	ssyncset.done $0x0  }
0x2f: {  	s20 =	simm.s32 $0x2760;
	[sflag:s13] =	ssyncadd.s32 $0xFFFFEC00  }
0x30: {  	[spmem:s2] =	stream.indirect.scatter.add.f32 [tilespmem:s17], [sflag:$0x7], $0x40, s20, s15, $0xb8;
	[tilespmem:$0x15220] =	vst v63  }
0x31: {  	_ =	swait.ge [sflag:s26], $0x1400  }
0x32: {  	[sflag:s26] =	ssyncset.done $0x0  }
0x33: {  	s25 =	simm.s32 $0x190;
	[sflag:s26] =	ssyncadd.s32 $0xFFFFEC00  }
0x34: {  	[tilespmem:s16], [sflag:$0x1] =	stream.indirect.gather [hbm4b:s4+s15], $0x40, s25, s15, $0xb8;
	[tilespmem:$0x15220] =	vst v63  }
0x35: {  	_ =	swait.ge [sflag:s14], $0x1400  }
0x36: {  	[sflag:s14] =	ssyncset.done $0x0  }
0x37: {  	s20 =	simm.s32 $0x27B0;
	[sflag:s14] =	ssyncadd.s32 $0xFFFFEC00  }
0x38: {  	[spmem:s2] =	stream.indirect.scatter.add.f32 [tilespmem:s19], [sflag:$0x8], $0x40, s20, s15, $0xb8;
	[tilespmem:$0x15220] =	vst v63  }
0x39: {  	_ =	swait.ge [sflag:s30], $0x1400  }
0x3a: {  	[sflag:s30] =	ssyncset.done $0x0  }
0x3b: {  	s25 =	simm.s32 $0x1E0;
	[sflag:s30] =	ssyncadd.s32 $0xFFFFEC00  }
0x3c: {  	[tilespmem:s17], [sflag:$0x2] =	stream.indirect.gather [hbm4b:s4+s15], $0x40, s25, s15, $0xb8;
	[tilespmem:$0x15220] =	vst v63  }
0x3d: {  	_ =	swait.ge [sflag:s0], $0x1400  }
0x3e: {  	[sflag:s0] =	ssyncset.done $0x0  }
0x3f: {  	s20 =	simm.s32 $0x2800;
	[sflag:s0] =	ssyncadd.s32 $0xFFFFEC00  }
0x40: {  	[spmem:s2] =	stream.indirect.scatter.add.f32 [tilespmem:s21], [sflag:$0x9], $0x40, s20, s15, $0xb8;
	[tilespmem:$0x15220] =	vst v63  }
0x41: {  	_ =	swait.ge [sflag:s18], $0x1400  }
0x42: {  	[sflag:s18] =	ssyncset.done $0x0  }
0x43: {  	s25 =	simm.s32 $0x230;
	[sflag:s18] =	ssyncadd.s32 $0xFFFFEC00  }
0x44: {  	[tilespmem:s19], [sflag:$0x3] =	stream.indirect.gather [hbm4b:s4+s15], $0x40, s25, s15, $0xb8;
	[tilespmem:$0x15220] =	vst v63  }
0x45: {  	_ =	swait.ge [sflag:s22], $0x1400  }
0x46: {  	[sflag:s22] =	ssyncset.done $0x0  }
0x47: {  	s20 =	simm.s32 $0x2850;
	[sflag:s22] =	ssyncadd.s32 $0xFFFFEC00  }
0x48: {  	[spmem:s2] =	stream.indirect.scatter.add.f32 [tilespmem:s23], [sflag:$0xA], $0x40, s20, s15, $0xb8;
	[tilespmem:$0x15220] =	vst v63  }
0x49: {  	_ =	swait.ge [sflag:s28], $0x1400  }
0x4a: {  	[sflag:s28] =	ssyncset.done $0x0  }
0x4b: {  	s25 =	simm.s32 $0x280;
	[sflag:s28] =	ssyncadd.s32 $0xFFFFEC00  }
0x4c: {  	[tilespmem:s21], [sflag:$0x4] =	stream.indirect.gather [hbm4b:s4+s15], $0x40, s25, s15, $0xb8;
	[tilespmem:$0x15220] =	vst v63  }
0x4d: {  	_ =	swait.ge [sflag:s12], $0x1400  }
0x4e: {  	[sflag:s12] =	ssyncset.done $0x0  }
0x4f: {  	s20 =	simm.s32 $0x28A0;
	[sflag:s12] =	ssyncadd.s32 $0xFFFFEC00  }
0x50: {  	[spmem:s2] =	stream.indirect.scatter.add.f32 [tilespmem:s16], [sflag:$0x6], $0x40, s20, s15, $0xb8;
	[tilespmem:$0x15220] =	vst v63  }
0x51: {  	_ =	swait.ge [sflag:s29], $0x1400  }
0x52: {  	[sflag:s29] =	ssyncset.done $0x0  }
0x53: {  	s25 =	simm.s32 $0x2D0;
	[sflag:s29] =	ssyncadd.s32 $0xFFFFEC00  }
0x54: {  	[tilespmem:s23], [sflag:$0x5] =	stream.indirect.gather [hbm4b:s4+s15], $0x40, s25, s15, $0xb8;
	[tilespmem:$0x15220] =	vst v63  }
0x55: {  	_ =	swait.ge [sflag:s13], $0x1400  }
0x56: {  	[sflag:s13] =	ssyncset.done $0x0  }
0x57: {  	s20 =	simm.s32 $0x28F0;
	[sflag:s13] =	ssyncadd.s32 $0xFFFFEC00  }
0x58: {  	[spmem:s2] =	stream.indirect.scatter.add.f32 [tilespmem:s17], [sflag:$0x7], $0x40, s20, s15, $0xb8;
	[tilespmem:$0x15220] =	vst v63  }
0x59: {  	_ =	swait.ge [sflag:s26], $0x1400  }
0x5a: {  	[sflag:s26] =	ssyncset.done $0x0  }
0x5b: {  	s25 =	simm.s32 $0x320;
	[sflag:s26] =	ssyncadd.s32 $0xFFFFEC00  }
0x5c: {  	[tilespmem:s16], [sflag:$0x1] =	stream.indirect.gather [hbm4b:s4+s15], $0x40, s25, s15, $0xb8;
	[tilespmem:$0x15220] =	vst v63  }
0x5d: {  	_ =	swait.ge [sflag:s14], $0x1400  }
0x5e: {  	[sflag:s14] =	ssyncset.done $0x0  }
0x5f: {  	s20 =	simm.s32 $0x2940;
	[sflag:s14] =	ssyncadd.s32 $0xFFFFEC00  }
0x60: {  	[spmem:s2] =	stream.indirect.scatter.add.f32 [tilespmem:s19], [sflag:$0x8], $0x40, s20, s15, $0xb8;
	[tilespmem:$0x15220] =	vst v63  }
0x61: {  	_ =	swait.ge [sflag:s30], $0x1400  }
0x62: {  	[sflag:s30] =	ssyncset.done $0x0  }
0x63: {  	s25 =	simm.s32 $0x370;
	[sflag:s30] =	ssyncadd.s32 $0xFFFFEC00  }
0x64: {  	[tilespmem:s17], [sflag:$0x2] =	stream.indirect.gather [hbm4b:s4+s15], $0x40, s25, s15, $0xb8;
	[tilespmem:$0x15220] =	vst v63  }
0x65: {  	_ =	swait.ge [sflag:s0], $0x1400  }
0x66: {  	[sflag:s0] =	ssyncset.done $0x0  }
0x67: {  	s20 =	simm.s32 $0x2990;
	[sflag:s0] =	ssyncadd.s32 $0xFFFFEC00  }
0x68: {  	[spmem:s2] =	stream.indirect.scatter.add.f32 [tilespmem:s21], [sflag:$0x9], $0x40, s20, s15, $0xb8;
	[tilespmem:$0x15220] =	vst v63  }
0x69: {  	_ =	swait.ge [sflag:s18], $0x1400  }
0x6a: {  	[sflag:s18] =	ssyncset.done $0x0  }
0x6b: {  	s25 =	simm.s32 $0x3C0;
	[sflag:s18] =	ssyncadd.s32 $0xFFFFEC00  }
0x6c: {  	[tilespmem:s19], [sflag:$0x3] =	stream.indirect.gather [hbm4b:s4+s15], $0x40, s25, s15, $0xb8;
	[tilespmem:$0x15220] =	vst v63  }
0x6d: {  	_ =	swait.ge [sflag:s22], $0x1400  }
0x6e: {  	[sflag:s22] =	ssyncset.done $0x0  }
0x6f: {  	s1 =	simm.s32 $0x640;
	s20 =	simm.s32 $0x29E0;
	[sflag:s22] =	ssyncadd.s32 $0xFFFFEC00  }
.LBB2_2:
0x70: {  	[spmem:s2] =	stream.indirect.scatter.add.f32 [tilespmem:s23], [sflag:$0xA], $0x40, s20, s15, $0xb8;
	[tilespmem:$0x15220] =	vst v63  }
0x71: {  	s20 =	smov.u32 s1;
	s1 =	sadd.s32 $0x640, s1;
	_ =	swait.ge [sflag:s28], $0x1400  }
0x72: {  	s20 =	sshra.s32 s20, $0x2;
	p0 =	sne.s32 s1, $0x8FC0;
	[sflag:s28] =	ssyncset.done $0x0  }
0x73: {  	s25 =	sadd.s32 $0x280, s20;
	[sflag:s28] =	ssyncadd.s32 $0xFFFFEC00  }
0x74: {  	[tilespmem:s21], [sflag:$0x4] =	stream.indirect.gather [hbm4b:s4+s15], $0x40, s25, s15, $0xb8;
	[tilespmem:$0x15220] =	vst v63  }
0x75: {  	_ =	swait.ge [sflag:s12], $0x1400  }
0x76: {  	[sflag:s12] =	ssyncset.done $0x0  }
0x77: {  	s25 =	sadd.s32 $0x28A0, s20;
	[sflag:s12] =	ssyncadd.s32 $0xFFFFEC00  }
0x78: {  	[spmem:s2] =	stream.indirect.scatter.add.f32 [tilespmem:s16], [sflag:$0x6], $0x40, s25, s15, $0xb8;
	[tilespmem:$0x15220] =	vst v63  }
0x79: {  	_ =	swait.ge [sflag:s29], $0x1400  }
0x7a: {  	[sflag:s29] =	ssyncset.done $0x0  }
0x7b: {  	s25 =	sadd.s32 $0x2D0, s20;
	[sflag:s29] =	ssyncadd.s32 $0xFFFFEC00  }
0x7c: {  	[tilespmem:s23], [sflag:$0x5] =	stream.indirect.gather [hbm4b:s4+s15], $0x40, s25, s15, $0xb8;
	[tilespmem:$0x15220] =	vst v63  }
0x7d: {  	_ =	swait.ge [sflag:s13], $0x1400  }
0x7e: {  	[sflag:s13] =	ssyncset.done $0x0  }
0x7f: {  	s25 =	sadd.s32 $0x28F0, s20;
	[sflag:s13] =	ssyncadd.s32 $0xFFFFEC00  }
0x80: {  	[spmem:s2] =	stream.indirect.scatter.add.f32 [tilespmem:s17], [sflag:$0x7], $0x40, s25, s15, $0xb8;
	[tilespmem:$0x15220] =	vst v63  }
0x81: {  	_ =	swait.ge [sflag:s26], $0x1400  }
0x82: {  	[sflag:s26] =	ssyncset.done $0x0  }
0x83: {  	s25 =	sadd.s32 $0x320, s20;
	[sflag:s26] =	ssyncadd.s32 $0xFFFFEC00  }
0x84: {  	[tilespmem:s16], [sflag:$0x1] =	stream.indirect.gather [hbm4b:s4+s15], $0x40, s25, s15, $0xb8;
	[tilespmem:$0x15220] =	vst v63  }
0x85: {  	_ =	swait.ge [sflag:s14], $0x1400  }
0x86: {  	[sflag:s14] =	ssyncset.done $0x0  }
0x87: {  	s25 =	sadd.s32 $0x2940, s20;
	[sflag:s14] =	ssyncadd.s32 $0xFFFFEC00  }
0x88: {  	[spmem:s2] =	stream.indirect.scatter.add.f32 [tilespmem:s19], [sflag:$0x8], $0x40, s25, s15, $0xb8;
	[tilespmem:$0x15220] =	vst v63  }
0x89: {  	_ =	swait.ge [sflag:s30], $0x1400  }
0x8a: {  	[sflag:s30] =	ssyncset.done $0x0  }
0x8b: {  	s25 =	sadd.s32 $0x370, s20;
	[sflag:s30] =	ssyncadd.s32 $0xFFFFEC00  }
0x8c: {  	[tilespmem:s17], [sflag:$0x2] =	stream.indirect.gather [hbm4b:s4+s15], $0x40, s25, s15, $0xb8;
	[tilespmem:$0x15220] =	vst v63  }
0x8d: {  	_ =	swait.ge [sflag:s0], $0x1400  }
0x8e: {  	[sflag:s0] =	ssyncset.done $0x0  }
0x8f: {  	s25 =	sadd.s32 $0x2990, s20;
	[sflag:s0] =	ssyncadd.s32 $0xFFFFEC00  }
0x90: {  	[spmem:s2] =	stream.indirect.scatter.add.f32 [tilespmem:s21], [sflag:$0x9], $0x40, s25, s15, $0xb8;
	[tilespmem:$0x15220] =	vst v63  }
0x91: {  	_ =	swait.ge [sflag:s18], $0x1400  }
0x92: {  	[sflag:s18] =	ssyncset.done $0x0  }
.Ltmp0:
0x93: {  	s25 =	sadd.s32 $0x3C0, s20;
	[sflag:s18] =	ssyncadd.s32 $0xFFFFEC00;
	(pc) =	sbr.rel @p0 .LBB2_2-.Ltmp0, $4  }
0x94: {  	[tilespmem:s19], [sflag:$0x3] =	stream.indirect.gather [hbm4b:s4+s15], $0x40, s25, s15, $0xb8;
	[tilespmem:$0x15220] =	vst v63  }
0x95: {  	_ =	swait.ge [sflag:s22], $0x1400  }
0x96: {  	[sflag:s22] =	ssyncset.done $0x0  }
0x97: {  	s20 =	sadd.s32 $0x29E0, s20;
	[sflag:s22] =	ssyncadd.s32 $0xFFFFEC00  }
0x98: {  	[spmem:s2] =	stream.indirect.scatter.add.f32 [tilespmem:s23], [sflag:$0xA], $0x40, s20, s15, $0xb8;
	[tilespmem:$0x15220] =	vst v63  }
0x99: {  	_ =	swait.ge [sflag:s28], $0x1400  }
0x9a: {  	s1 =	sshra.s32 s1, $0x2;
	[sflag:s28] =	ssyncset.done $0x0  }
0x9b: {  	s25 =	sadd.s32 $0x280, s1;
	[sflag:s28] =	ssyncadd.s32 $0xFFFFEC00  }
0x9c: {  	[tilespmem:s21], [sflag:$0x4] =	stream.indirect.gather [hbm4b:s4+s15], $0x40, s25, s15, $0xb8;
	[tilespmem:$0x15220] =	vst v63  }
0x9d: {  	_ =	swait.ge [sflag:s12], $0x1400  }
0x9e: {  	[sflag:s12] =	ssyncset.done $0x0  }
0x9f: {  	s25 =	sadd.s32 $0x28A0, s1;
	[sflag:s12] =	ssyncadd.s32 $0xFFFFEC00  }
0xa0: {  	[spmem:s2] =	stream.indirect.scatter.add.f32 [tilespmem:s16], [sflag:$0x6], $0x40, s25, s15, $0xb8;
	[tilespmem:$0x15220] =	vst v63  }
0xa1: {  	_ =	swait.ge [sflag:s29], $0x1400  }
0xa2: {  	[sflag:s29] =	ssyncset.done $0x0  }
0xa3: {  	s25 =	sadd.s32 $0x2D0, s1;
	[sflag:s29] =	ssyncadd.s32 $0xFFFFEC00  }
0xa4: {  	[tilespmem:s23], [sflag:$0x5] =	stream.indirect.gather [hbm4b:s4+s15], $0x40, s25, s15, $0xb8;
	[tilespmem:$0x15220] =	vst v63  }
0xa5: {  	_ =	swait.ge [sflag:s13], $0x1400  }
0xa6: {  	[sflag:s13] =	ssyncset.done $0x0  }
0xa7: {  	s25 =	sadd.s32 $0x28F0, s1;
	[sflag:s13] =	ssyncadd.s32 $0xFFFFEC00  }
0xa8: {  	[spmem:s2] =	stream.indirect.scatter.add.f32 [tilespmem:s17], [sflag:$0x7], $0x40, s25, s15, $0xb8;
	[tilespmem:$0x15220] =	vst v63  }
0xa9: {  	_ =	swait.ge [sflag:s26], $0x1400  }
0xaa: {  	[sflag:s26] =	ssyncset.done $0x0  }
0xab: {  	[sflag:s26] =	ssyncadd.s32 $0xFFFFEC00  }
0xac: {  	_ =	swait.ge [sflag:s14], $0x1400  }
0xad: {  	[sflag:s14] =	ssyncset.done $0x0  }
0xae: {  	s25 =	sadd.s32 $0x2940, s1;
	[sflag:s14] =	ssyncadd.s32 $0xFFFFEC00  }
0xaf: {  	[spmem:s2] =	stream.indirect.scatter.add.f32 [tilespmem:s19], [sflag:$0x8], $0x40, s25, s15, $0xb8;
	[tilespmem:$0x15220] =	vst v63  }
0xb0: {  	_ =	swait.ge [sflag:s30], $0x1400  }
0xb1: {  	[sflag:s30] =	ssyncset.done $0x0  }
0xb2: {  	[sflag:s30] =	ssyncadd.s32 $0xFFFFEC00  }
0xb3: {  	_ =	swait.ge [sflag:s0], $0x1400  }
0xb4: {  	[sflag:s0] =	ssyncset.done $0x0  }
0xb5: {  	s25 =	sadd.s32 $0x2990, s1;
	[sflag:s0] =	ssyncadd.s32 $0xFFFFEC00  }
0xb6: {  	[spmem:s2] =	stream.indirect.scatter.add.f32 [tilespmem:s21], [sflag:$0x9], $0x40, s25, s15, $0xb8;
	[tilespmem:$0x15220] =	vst v63  }
0xb7: {  	_ =	swait.ge [sflag:s18], $0x1400  }
0xb8: {  	[sflag:s18] =	ssyncset.done $0x0  }
0xb9: {  	[sflag:s18] =	ssyncadd.s32 $0xFFFFEC00  }
0xba: {  	_ =	swait.ge [sflag:s22], $0x1400  }
0xbb: {  	[sflag:s22] =	ssyncset.done $0x0  }
0xbc: {  	s1 =	sadd.s32 $0x29E0, s1;
	[sflag:s22] =	ssyncadd.s32 $0xFFFFEC00  }
0xbd: {  	[spmem:s2] =	stream.indirect.scatter.add.f32 [tilespmem:s23], [sflag:$0xA], $0x40, s1, s15, $0xb8;
	[tilespmem:$0x15220] =	vst v63  }
0xbe: {  	_ =	swait.ge [sflag:s28], $0x1400  }
0xbf: {  	[sflag:s28] =	ssyncset.done $0x0  }
0xc0: {  	[sflag:s28] =	ssyncadd.s32 $0xFFFFEC00  }
0xc1: {  	_ =	swait.ge [sflag:s29], $0x1400  }
0xc2: {  	s31 =	sadd.s32 $0x1, s31;
	[sflag:s29] =	ssyncset.done $0x0  }
0xc3: {  	p0 =	sne.s32 s31, s9;
	[sflag:s29] =	ssyncadd.s32 $0xFFFFEC00  }
.Ltmp1:
0xc4: {  	[bflag:$0x0] =	sbarrier.arrive $0xFFFF;
	(pc) =	sbr.rel @p0 .LBB2_1-.Ltmp1, $4  }
0xc5: {  	[hbm:s24], [sflag:s6] =	dma.local [spmem:s10], $0x1400  }
0xc6: {  	_ =	swait.ge [sflag:s12], $0x1400  }
0xc7: {  	[sflag:s12] =	ssyncset.done $0x0  }
0xc8: {  	[sflag:s12] =	ssyncadd.s32 $0xFFFFEC00  }
0xc9: {  	_ =	sfence.sel $0x180000  }
0xca: {  	[bflag:$0x0] =	sbarrier.arrive $0xFFFF  }
0xcb: {  	_ =	strace $0x9000004A  }
0xcc: {  	s0 =	stileid.u32;
	[bflag:$0x2] =	sbarrier.arrive $0xFFFF  }
0xcd: {  	p0 =	sne.s32 s0, $0x0;
	s0 =	rddreg [dreg:$0x2]  }
0xce: {  	s0 =	sadd.s32 @!p0 $0x100000, s0  }
0xcf: {  	[sflag:s0] =	ssyncadd.tile.s32 @!p0 $0x1;
	_ =	shalt  }
.Lfunc_end2:
_tile_overlayer_lowered:
.L_overlay_start_2:
0xd0: {  	(tag) =	ssettag $0x2  }
0xd1: {  	s0 =	rddreg [dreg:$0x0];
	s2 =	stileid.u32  }
0xd2: {  	s1 =	rddreg [dreg:$0x1];
	p0 =	sne.s32 s2, $0x0  }
0xd3: {  	s3 =	rddreg [dreg:$0x2];
	[bflag:$0x3] =	sbarrier.arrive $0xFFFF;
	s2 =	simm.s32 @!p0 $0x1C0B  }
0xd4: {  	[timem:s3], [sflag:s2] =	dma.local @!p0 [hbm:s0], s1  }
0xd5: {  	s0 =	simm.s32 @!p0 $0xB  }
0xd6: {  	_ =	swait.ge @!p0 [sflag:s0], s1  }
0xd7: {  	s1 =	ssub.s32 @!p0 $0x0, s1;
	[sflag:s0] =	ssyncset.done @!p0 $0x0  }
0xd8: {  	[sflag:s0] =	ssyncadd.s32 @!p0 s1  }
0xd9: {  	[bflag:$0x3] =	sbarrier.arrive $0xFFFF  }
0xda: {  	_ =	shalt  }

// kernel: kernel.7.cloned.1.call-start
scs
__scs_entry_jumppad:
0x0: {  	(pc) =	sbr.rel $0x88, $3  }
0x1: {  	(tag) =	ssettag $0x0;
	lr =	simm.s32 $0x1  }
0x2: {  	[smem:$0x3F97] =	sst lr;
	_ =	strace $0xD0000000  }
0x3: {  	_ = 	snop  }
0x4: {  	_ = 	snop  }
0x5: {  	_ = 	snop  }
0x6: {  	_ = 	snop  }
0x7: {  	_ = 	snop  }
__scs_overlays_trampoline_lowered:
0x8: {  	[smem:$0x3FA6] =	sst s0  }
0x9: {  	[smem:$0x3FA7] =	sst s1  }
0xa: {  	[smem:$0x3FA8] =	sst s2  }
0xb: {  	[smem:$0x3FA9] =	sst s3  }
0xc: {  	[smem:$0x3FAA] =	sst s4  }
0xd: {  	[smem:$0x3FAB] =	sst s5  }
0xe: {  	[smem:$0x3FAC] =	sst s6  }
0xf: {  	[smem:$0x3FAD] =	sst s7  }
0x10: {  	[smem:$0x3FAE] =	sst s8  }
0x11: {  	[smem:$0x3FAF] =	sst s9;
	s0 =	simm.s32 @!p0 $0x0  }
0x12: {  	s1 =	sld [smem:$0x3F95];
	s0 =	simm.s32 @p0 $0x1  }
0x13: {  	[smem:$0x3FB0] =	sst s0;
	s0 =	simm.s32 @!p1 $0x0  }
0x14: {  	s2 =	sld [smem:$0x3F94];
	s0 =	simm.s32 @p1 $0x1  }
0x15: {  	[smem:$0x3FB1] =	sst s0;
	s0 =	simm.s32 @!p2 $0x0  }
0x16: {  	s3 =	sld [smem:$0x3FDB];
	s0 =	simm.s32 @p2 $0x1  }
0x17: {  	s4 =	simm.s32 $0x1BF5;
	[smem:$0x3FB3] =	sst s0  }
0x18: {  	s0 =	sld [smem:$0x3F96];
	_ =	swait.ge [sflag:s4], $0x0  }
0x19: {  	s7 =	sld [smem:$0x3F97]  }
0x1a: {  	s8 =	sadd.s32 $0xFFFFE003, lr  }
0x1b: {  	s9 =	sadd.s32 $0xFFFFFEF7, lr;
	s5 =	simm.s32 $0xFFFFFFFF;
	p2 =	slt.u32 s8, $0xFFFFF086  }
0x1c: {  	p1 =	slt.u32 s9, $0xF7A;
	s5 =	simm.s32 @!p2 $0x0  }
0x1d: {  	s5 =	simm.s32 @p1 $0x1;
	p0 =	seq.s32 s7, s2  }
0x1e: {  	s7 =	smul.u32 @!p0 $0xF7A, s2;
	p2 =	seq.s32 @!p0 s5, $0x0  }
0x1f: {  	s9 =	smul.u32 $0xF7A, s1;
	s8 =	simm.s32 @!p0 $0x1BF5;
	p2 =	por !p2, p0  }
0x20: {  	[sflag:s8] =	ssyncset.s32 @!p0 $0xFFFFF086;
	s6 =	sadd.s32 @!p0 s3, s7;
	s7 =	simm.s32 @!p0 $0x108  }
0x21: {  	s3 =	sadd.s32 s3, s9;
	s6 =	sadd.s32 @!p0 $0x88, s6;
	s7 =	simm.s32 @p2 $0x1082  }
0x22: {  	[simem:s7], [sflag:s8] =	dma.local @!p0 [hbm:s6], $0xF7A  }
0x23: {  	s9 =	sor.u32 $0xD0000000, s2;
	s6 =	simm.s32 $0x108;
	_ =	swait.ge @!p0 [sflag:s8], $0x0  }
0x24: {  	s3 =	sadd.s32 $0x88, s3;
	s6 =	simm.s32 @!p1 $0x1082;
	[sflag:s4] =	ssyncset.s32 $0xFFFFF086  }
0x25: {  	[simem:s6], [sflag:s4] =	dma.local [hbm:s3], $0xF7A  }
0x26: {  	[smem:$0x3F97] =	sst s1;
	(tag) =	ssettag s2;
	_ =	strace s9  }
0x27: {  	s1 =	sld [smem:$0x3FA7]  }
0x28: {  	s2 =	sld [smem:$0x3FA8]  }
0x29: {  	s4 =	sld [smem:$0x3FAA]  }
0x2a: {  	p0 =	seq.s32 s5, $0x0;
	s5 =	sld [smem:$0x3FAB]  }
0x2b: {  	s6 =	sld [smem:$0x3FAC]  }
0x2c: {  	s7 =	sld [smem:$0x3FAD]  }
0x2d: {  	s3 =	simm.s32 $0x108;
	s8 =	sld [smem:$0x3FAE]  }
0x2e: {  	s3 =	simm.s32 @!p0 $0x1082;
	s9 =	sld [smem:$0x3FAF]  }
0x2f: {  	lr =	sadd.s32 s0, s3;
	s0 =	sld [smem:$0x3FA6]  }
0x30: {  	s3 =	sld [smem:$0x3FA9]  }
0x31: {  	[smem:$0x3FB2] =	sst s10  }
0x32: {  	s10 =	sld [smem:$0x3FB0];
	_ =	sdelay $0x3  }
0x33: {  	p0 =	seq.s32 s10, $0x1;
	s10 =	sld [smem:$0x3FB2];
	_ =	sdelay $0x3  }
0x34: {  	[smem:$0x3FB2] =	sst s10  }
0x35: {  	s10 =	sld [smem:$0x3FB1];
	_ =	sdelay $0x3  }
0x36: {  	p1 =	seq.s32 s10, $0x1;
	s10 =	sld [smem:$0x3FB2];
	_ =	sdelay $0x3  }
0x37: {  	[smem:$0x3FB2] =	sst s10  }
0x38: {  	s10 =	sld [smem:$0x3FB3]  }
0x39: {  	_ = 	snop;
	(pc) =	sbr.ind lr, $3  }
0x3a: {  	_ = 	snop  }
0x3b: {  	_ = 	snop  }
0x3c: {  	p2 =	seq.s32 s10, $0x1;
	s10 =	sld [smem:$0x3FB2]  }
0x3d: {  	_ =	shalt  }
0x3e: {  	_ =	shalt  }
0x3f: {  	_ =	shalt  }
0x40: {  	_ =	shalt  }
0x41: {  	_ =	shalt  }
0x42: {  	_ =	shalt  }
0x43: {  	_ =	shalt  }
0x44: {  	_ =	shalt  }
0x45: {  	_ =	shalt  }
0x46: {  	_ =	shalt  }
0x47: {  	_ =	shalt  }
0x48: {  	_ =	shalt  }
0x49: {  	_ =	shalt  }
0x4a: {  	_ =	shalt  }
0x4b: {  	_ =	shalt  }
0x4c: {  	_ =	shalt  }
0x4d: {  	_ =	shalt  }
0x4e: {  	_ =	shalt  }
0x4f: {  	_ =	shalt  }
0x50: {  	_ =	shalt  }
0x51: {  	_ =	shalt  }
0x52: {  	_ =	shalt  }
0x53: {  	_ =	shalt  }
0x54: {  	_ =	shalt  }
0x55: {  	_ =	shalt  }
0x56: {  	_ =	shalt  }
0x57: {  	_ =	shalt  }
0x58: {  	_ =	shalt  }
0x59: {  	_ =	shalt  }
0x5a: {  	_ =	shalt  }
0x5b: {  	_ =	shalt  }
0x5c: {  	_ =	shalt  }
0x5d: {  	_ =	shalt  }
0x5e: {  	_ =	shalt  }
0x5f: {  	_ =	shalt  }
0x60: {  	_ =	shalt  }
0x61: {  	_ =	shalt  }
0x62: {  	_ =	shalt  }
0x63: {  	_ =	shalt  }
0x64: {  	_ =	shalt  }
0x65: {  	_ =	shalt  }
0x66: {  	_ =	shalt  }
0x67: {  	_ =	shalt  }
0x68: {  	_ =	shalt  }
0x69: {  	_ =	shalt  }
0x6a: {  	_ =	shalt  }
0x6b: {  	_ =	shalt  }
0x6c: {  	_ =	shalt  }
0x6d: {  	_ =	shalt  }
0x6e: {  	_ =	shalt  }
0x6f: {  	_ =	shalt  }
0x70: {  	_ =	shalt  }
0x71: {  	_ =	shalt  }
0x72: {  	_ =	shalt  }
0x73: {  	_ =	shalt  }
0x74: {  	_ =	shalt  }
0x75: {  	_ =	shalt  }
0x76: {  	_ =	shalt  }
0x77: {  	_ =	shalt  }
0x78: {  	_ =	shalt  }
0x79: {  	_ =	shalt  }
0x7a: {  	_ =	shalt  }
0x7b: {  	_ =	shalt  }
0x7c: {  	_ =	shalt  }
0x7d: {  	_ =	shalt  }
0x7e: {  	_ =	shalt  }
0x7f: {  	_ =	shalt  }
0x80: {  	_ =	shalt  }
0x81: {  	_ =	shalt  }
0x82: {  	_ =	shalt  }
0x83: {  	_ =	shalt  }
0x84: {  	_ =	shalt  }
0x85: {  	_ =	shalt  }
0x86: {  	_ =	shalt  }
0x87: {  	_ =	shalt  }
.Lfunc_end0:
.L_simem_size_0:
called_computation_lowered:
.L_overlay_start_0:
0x88: {  	s2 =	sld [smem:$0x3FD9]  }
0x89: {  	s3 =	sld [smem:$0x3FFE];
	_ =	sdelay $0x1  }
0x8a: {  	s1 =	srdreg.scid  }
0x8b: {  	s0 =	sand.u32 $0x1, s1  }
0x8c: {  	s17 =	sshll.u32 s0, $0xA;
	s2 =	sadd.s32 s3, s2  }
0x8d: {  	s2 =	sadd.s32 s2, s17  }
0x8e: {  	[smem:$0x3FBE] =	sst s2  }
0x8f: {  	_ = 	snop  }
0x90: {  	s2 =	sld [smem:$0x3FD0];
	(tm) =	ssettm $0x1  }
0x91: {  	s18 =	sld [smem:$0x3FFB];
	_ =	sdelay $0x3  }
0x92: {  	_ =	strace s18  }
0x93: {  	s3 =	sld [smem:$0x3FFC];
	_ =	sdelay $0x3  }
0x94: {  	_ =	strace s3  }
0x95: {  	s3 =	sld [smem:$0x3FFD];
	_ =	sdelay $0x3  }
0x96: {  	_ =	strace s3  }
0x97: {  	_ =	strace $0x8FFFFFFF  }
0x98: {  	s19 =	sld [smem:$0x3FDB];
	_ =	sdelay $0x1  }
0x99: {  	s4 =	simm.s32 $_scs_section_size  }
0x9a: {  	s5 =	simm.s32 $_size__tile_overlayer_lowered;
	s6 =	simm.s32 $_tile_overlayer_lowered  }
0x9b: {  	s22 =	simm.s32 $0x1BFF;
	s21 =	sshll.u32 s6, $0x1;
	s3 =	sadd.s32 s4, s19  }
0x9c: {  	s7 =	simm.s32 $0x0;
	s20 =	sshll.u32 s5, $0x1;
	s5 =	sadd.s32 s21, s3  }
0x9d: {  	[timem:s7], [sflag:s22] =	dma.local [hbm:s5], s20  }
0x9e: {  	_ =	swait.ge [sflag:s22], s20  }
0x9f: {  	s4 =	ssub.s32 $0x0, s20;
	[sflag:s22] =	ssyncset.done $0x0  }
0xa0: {  	[sflag:s22] =	ssyncadd.s32 s4;
	_ =	sdelay $0x1  }
0xa1: {  	s23 =	simm.s32 $0x1B8B  }
0xa2: {  	_ =	swait.ge [sflag:s23], $0x1  }
0xa3: {  	[sflag:s23] =	ssyncset.done $0x0  }
0xa4: {  	s25 =	simm.s32 $0x1B8E;
	s24 =	sld [smem:$0x3FFE];
	[sflag:s23] =	ssyncadd.s32 $0xFFFFFFFF  }
0xa5: {  	s26 =	simm.s32 $execute0_lowered;
	[smem:$0x3FD2] =	sst s25  }
0xa6: {  	s5 =	sshll.u32 s26, $0x1;
	_ =	strace $0x80000046;
	[dreg:$0x1] =	wrdreg $0xFFFFFFFF  }
0xa7: {  	s28 =	simm.s32 $_size_execute0_lowered;
	s3 =	sadd.s32 s3, s5;
	[dreg:$0x0] =	wrdreg $0x0  }
0xa8: {  	s5 =	sshll.u32 s28, $0x1;
	[dreg:$0x2] =	wrdreg s3  }
0xa9: {  	[dreg:$0x3] =	wrdreg s5  }
0xaa: {  	[dreg:$0x4] =	wrdreg $0xC0  }
0xab: {  	_ =	task [dreg:s7], $0x5FFFF  }
0xac: {  	[dreg:$0x1] =	wrdreg $0xFFFFFFFF  }
0xad: {  	[dreg:$0x0] =	wrdreg $0x60  }
0xae: {  	[dreg:$0x2] =	wrdreg s24  }
0xaf: {  	[dreg:$0x3] =	wrdreg s2  }
0xb0: {  	[dreg:$0x4] =	wrdreg $0xB7200  }
0xb1: {  	[dreg:$0x5] =	wrdreg $0x157200  }
0xb2: {  	[dreg:$0x6] =	wrdreg $0x9  }
0xb3: {  	_ =	task.clear_ibuf [dreg:s7], $0x7FFFF;
	_ =	strace $0x90000046  }
0xb4: {  	s29 =	simm.s32 $0x9;
	_ =	strace $0x80000048  }
0xb5: {  	_ =	swait.ge [sflag:s29], $0x1  }
0xb6: {  	[sflag:s29] =	ssyncadd.s32 $0xFFFFFFFF  }
0xb7: {  	_ =	strace $0x90000048  }
0xb8: {  	_ =	sfence  }
0xb9: {  	s30 =	sld [smem:$0x0];
	_ =	sdelay $0x2  }
0xba: {  	s31 =	sshll.u32 s1, $0xD;
	s1 =	sshrl.u32 s1, $0x2  }
0xbb: {  	s3 =	sand.u32 $0x4000, s31;
	s1 =	sadd.s32 s1, s30  }
0xbc: {  	s0 =	sor.u32 s3, s0;
	s1 =	sshll.u32 s1, $0x11  }
0xbd: {  	s0 =	sor.u32 s1, s0  }
0xbe: {  	s0 =	sadd.s32 $0x8F2B, s0  }
0xbf: {  	[sflag:s0] =	ssyncadd.remote.s32 $0x1  }
0xc0: {  	_ =	sfence.sel $0xFFFF  }
0xc1: {  	[dreg:$0x0] =	wrdreg $0xFFFFFFFF;
	(pc) =	sbr.abs _section_cstart, $3  }
0xc2: {  	[dreg:$0x1] =	wrdreg $0xFFFFFFFF  }
0xc3: {  	_ =	task.clear_ibuf [dreg:s7], $0x2FFFF;
	_ =	strace $0x9FFFFFFF  }
0xc4: {  	(tm) =	ssettm $0x7FFFFFFF  }
0xc5: {  	_ =	shalt  }
tec
execute0_lowered:
.L_overlay_start_1:
0x0: {  	(tag) =	ssettag $0x1  }
0x1: {  	s0 =	rddreg [dreg:$0x0];
	s1 =	srdreg.scid  }
0x2: {  	s3 =	rddreg [dreg:$0x2];
	s10 =	stileid.u32  }
0x3: {  	s4 =	rddreg [dreg:$0x3];
	s5 =	simm.s32 $0x0;
	s18 =	simm.s32 $0x4E20  }
0x4: {  	s21 =	simm.s32 $0x3;
	s17 =	simm.s32 $0xA320;
	s15 =	simm.s32 $0xB  }
0x5: {  	s30 =	simm.s32 $0x7;
	s1 =	sand.u32 $0x1, s1;
	[smem:$0x7FF] =	sst s5  }
0x6: {  	s6 =	sadd.s32 $0x16400, s0;
	s7 =	sadd.s32 $0x2A400, s0;
	s9 =	smul.u32 $0xA000, s10  }
0x7: {  	s8 =	sadd.s32 $0x2B800, s0;
	s11 =	sshll.u32 s10, $0x6;
	s26 =	smul.u32 $0x2800, s10  }
0x8: {  	_ =	strace $0x80000047;
	s22 =	smul.u32 $0x14000, s1;
	[dreg:$0x5] =	wrdreg s7  }
0x9: {  	s2 =	sshll.u32 s1, $0x4;
	s23 =	smul.u32 $0x5000, s1;
	[dreg:$0x6] =	wrdreg s8  }
0xa: {  	s1 =	ssub.s32 $0x2, s1;
	[dreg:$0x7] =	wrdreg s11;
	s29 =	sor.u32 $0x1C04, s11  }
0xb: {  	s7 =	simm.s32 $0xC;
	s2 =	sor.u32 s10, s2;
	s24 =	sshrl.u32 s1, $0x1  }
0xc: {  	s25 =	sadd.s32 s9, s3;
	s10 =	sor.u32 $0x1C01, s11;
	s28 =	sadd.s32 s26, s4  }
0xd: {  	s9 =	sshrl.u32 s9, $0x3;
	s8 =	sshrl.u32 s26, $0x3;
	[dreg:$0xd] =	wrdreg s29  }
0xe: {  	s26 =	simm.s32 $0x50;
	s11 =	simm.s32 $0xD;
	s2 =	smul.u32 $0x2710, s2  }
0xf: {  	s1 =	ssub.s32 s1, s24;
	s13 =	sshrl.u32 s28, $0x3;
	[dreg:$0x8] =	wrdreg s10  }
0x10: {  	s5 =	sadd.s32 s22, s0;
	s1 =	smax.u32 s1, $0x1;
	[dreg:$0xe] =	wrdreg s13  }
0x11: {  	s5 =	sadd.s32 $0x2BA00, s5;
	s2 =	sshrl.u32 s2, $0x3;
	[dreg:$0xb] =	wrdreg s1  }
0x12: {  	s31 =	sadd.s32 s9, s5;
	s1 =	simm.s32 $0x6;
	s2 =	sadd.s32 s2, s0  }
0x13: {  	s0 =	sadd.s32 s23, s0;
	[dreg:$0xf] =	wrdreg s31;
	s12 =	sadd.s32 $0x2A00, s2  }
0x14: {  	s2 =	sadd.s32 $0xC640, s2;
	s0 =	sadd.s32 $0x53A00, s0;
	[dreg:$0x9] =	wrdreg s12  }
0x15: {  	s23 =	simm.s32 $0x4;
	[dreg:$0xa] =	wrdreg s2;
	s0 =	sadd.s32 s8, s0  }
0x16: {  	s12 =	sshrl.u32 s25, $0x3;
	s25 =	simm.s32 $0x5;
	[dreg:$0x10] =	wrdreg s0  }
0x17: {  	s8 =	simm.s32 $0x8;
	s0 =	simm.s32 $0x0;
	[dreg:$0xc] =	wrdreg s12  }
.LBB2_1:
0x18: {  	[dreg:$0x11] =	wrdreg s0  }
0x19: {  	s2 =	rddreg [dreg:$0x5]  }
0x1a: {  	[spmem:s12], [sflag:s10] =	dma.local [hbm:s2], $0x1400  }
0x1b: {  	s2 =	rddreg [dreg:$0x9]  }
0x1c: {  	s20 =	rddreg [dreg:$0xa]  }
0x1d: {  	s5 =	simm.s32 $0x0;
	s22 =	rddreg [dreg:$0x1]  }
0x1e: {  	[tilespmem:s5], [sflag:$0x2] =	stream.linear.gather [hbm4b:s2+s5], $0x2710, $0x38;
	[tilespmem:$0x17F20] =	vst v63  }
0x1f: {  	s9 =	simm.s32 $0x2710;
	s24 =	rddreg [dreg:$0xd]  }
0x20: {  	[tilespmem:s9], [sflag:$0x3] =	stream.linear.gather [hbm4b:s20+s5], $0x2710, $0x38;
	[tilespmem:$0x17F20] =	vst v63  }
0x21: {  	[spmem:s13], [sflag:s24] =	dma.local [hbm:s22], $0x500  }
0x22: {  	s28 =	simm.s32 $0x1;
	s2 =	rddreg [dreg:$0x6]  }
0x23: {  	[tilespmem:s18], [sflag:$0x5] =	stream.linear.gather [hbm4b:s2+s5], $0x500, $0x38;
	[tilespmem:$0x17F20] =	vst v63  }
0x24: {  	_ =	swait.ge [sflag:s28], $0x1400  }
0x25: {  	[sflag:s28] =	ssyncset.done $0x0  }
0x26: {  	s19 =	simm.s32 $0x2;
	[sflag:s28] =	ssyncadd.s32 $0xFFFFEC00  }
0x27: {  	_ =	swait.ge [sflag:s19], $0x2710  }
0x28: {  	[sflag:s19] =	ssyncset.done $0x0  }
0x29: {  	[sflag:s19] =	ssyncadd.s32 $0xFFFFD8F0  }
0x2a: {  	_ =	swait.ge [sflag:s21], $0x2710  }
0x2b: {  	[sflag:s21] =	ssyncset.done $0x0  }
0x2c: {  	[sflag:s21] =	ssyncadd.s32 $0xFFFFD8F0  }
0x2d: {  	_ =	swait.ge [sflag:s23], $0x500  }
0x2e: {  	[sflag:s23] =	ssyncset.done $0x0  }
0x2f: {  	[sflag:s23] =	ssyncadd.s32 $0xFFFFFB00  }
0x30: {  	_ =	swait.ge [sflag:s25], $0x500  }
0x31: {  	[sflag:s25] =	ssyncset.done $0x0  }
0x32: {  	[sflag:s25] =	ssyncadd.s32 $0xFFFFFB00  }
0x33: {  	s29 =	simm.s32 $0x5320;
	p1 =	por $0x1, $0x1;
	[bflag:$0x0] =	sbarrier.arrive $0xFFFF  }
0x34: {  	[tilespmem:s29], [sflag:$0x1] =	stream.indirect.gather [hbm4b:s6+s26], $0x40, s5, s26, $0xb8;
	[tilespmem:$0x17F20] =	vst v63  }
0x35: {  	s31 =	simm.s32 $0x6720;
	p0 =	por p1, p1  }
0x36: {  	[tilespmem:s31], [sflag:$0x2] =	stream.indirect.gather [hbm4b:s6+s26], $0x40, s26, s26, $0xb8;
	[tilespmem:$0x17F20] =	vst v63  }
0x37: {  	s16 =	simm.s32 $0xA0;
	s14 =	simm.s32 $0x7B20;
	s5 =	simm.s32 @!p0 $0x9  }
0x38: {  	[tilespmem:s14], [sflag:$0x3] =	stream.indirect.gather [hbm4b:s6+s26], $0x40, s16, s26, $0xb8;
	[tilespmem:$0x17F20] =	vst v63  }
0x39: {  	_ =	swait.ge @!p0 [sflag:s5], $0x1400  }
0x3a: {  	[sflag:s5] =	ssyncset.done @!p0 $0x0  }
0x3b: {  	s10 =	simm.s32 $0x0;
	[sflag:s5] =	ssyncadd.s32 @!p0 $0xFFFFEC00;
	s5 =	simm.s32 @!p0 $0xE  }
0x3c: {  	s10 =	simm.s32 @p1 $0x0;
	s9 =	simm.s32 @!p1 $0x0;
	_ =	swait.ge @!p0 [sflag:s5], $0x500  }
0x3d: {  	s12 =	sshra.s32 s10, $0x2;
	s9 =	simm.s32 @p1 $0x0;
	[sflag:s5] =	ssyncset.done @!p0 $0x0  }
0x3e: {  	s20 =	sadd.s32 $0xF0, s9;
	s16 =	simm.s32 $0x8F20;
	[sflag:s5] =	ssyncadd.s32 @!p0 $0xFFFFFB00  }
0x3f: {  	[tilespmem:s16], [sflag:$0x4] =	stream.indirect.gather [hbm4b:s6+s26], $0x40, s20, s26, $0xb8;
	[tilespmem:$0x17F20] =	vst v63  }
0x40: {  	s22 =	sadd.s32 $0x2710, s12  }
0x41: {  	[spmem:s4] =	stream.indirect.scatter.add.f32 [tilespmem:s18], [sflag:$0xB], $0x10, s22, s26, $0xb8;
	[tilespmem:$0x17F20] =	vst v63  }
0x42: {  	_ =	swait.ge [sflag:s28], $0x1400  }
0x43: {  	[sflag:s28] =	ssyncset.done $0x0  }
0x44: {  	s9 =	simm.s32 @!p0 $0xA;
	[sflag:s28] =	ssyncadd.s32 $0xFFFFEC00  }
0x45: {  	[spmem:s3] =	stream.indirect.scatter.add.f32 [tilespmem:s29], [sflag:$0x6], $0x40, s22, s26, $0xb8;
	[tilespmem:$0x17F20] =	vst v63  }
0x46: {  	_ =	swait.ge @!p0 [sflag:s9], $0x1400  }
0x47: {  	[sflag:s9] =	ssyncset.done @!p0 $0x0  }
0x48: {  	s5 =	simm.s32 @!p0 $0xF;
	[sflag:s9] =	ssyncadd.s32 @!p0 $0xFFFFEC00  }
0x49: {  	s9 =	sshra.s32 @!p1 s10, $0x2;
	_ =	swait.ge @!p0 [sflag:s5], $0x500  }
0x4a: {  	s9 =	simm.s32 @p1 $0x0;
	[sflag:s5] =	ssyncset.done @!p0 $0x0  }
0x4b: {  	s24 =	sadd.s32 $0x140, s9;
	[sflag:s5] =	ssyncadd.s32 @!p0 $0xFFFFFB00  }
0x4c: {  	[tilespmem:s17], [sflag:$0x5] =	stream.indirect.gather [hbm4b:s6+s26], $0x40, s24, s26, $0xb8;
	[tilespmem:$0x17F20] =	vst v63  }
0x4d: {  	s28 =	sadd.s32 $0x2760, s12  }
0x4e: {  	[spmem:s4] =	stream.indirect.scatter.add.f32 [tilespmem:s18], [sflag:$0xC], $0x10, s28, s26, $0xb8;
	[tilespmem:$0x17F20] =	vst v63  }
0x4f: {  	_ =	swait.ge [sflag:s19], $0x1400  }
0x50: {  	[sflag:s19] =	ssyncset.done $0x0  }
0x51: {  	[sflag:s19] =	ssyncadd.s32 $0xFFFFEC00  }
0x52: {  	[spmem:s3] =	stream.indirect.scatter.add.f32 [tilespmem:s31], [sflag:$0x7], $0x40, s28, s26, $0xb8;
	[tilespmem:$0x17F20] =	vst v63  }
0x53: {  	_ =	swait.ge [sflag:s1], $0x1400  }
0x54: {  	[sflag:s1] =	ssyncset.done $0x0  }
0x55: {  	p1 =	por $0x0, $0x0;
	[sflag:s1] =	ssyncadd.s32 $0xFFFFEC00  }
0x56: {  	s5 =	sshra.s32 @!p1 s10, $0x2;
	_ =	swait.ge [sflag:s15], $0x500  }
0x57: {  	p0 =	por p1, p1;
	s9 =	sadd.s32 @!p1 $0x190, s5;
	[sflag:s15] =	ssyncset.done $0x0  }
0x58: {  	s10 =	simm.s32 @!p0 $0x50;
	s13 =	simm.s32 @!p0 $0x5320;
	[sflag:s15] =	ssyncadd.s32 $0xFFFFFB00  }
0x59: {  	[tilespmem:s13], [sflag:$0x1] =	stream.indirect.gather @!p0 [hbm4b:s6+s10], $0x40, s9, s10, $0xb8;
	[tilespmem:$0x17F20] =	vst v63  }
0x5a: {  	s29 =	sadd.s32 $0x27B0, s12  }
0x5b: {  	[spmem:s4] =	stream.indirect.scatter.add.f32 [tilespmem:s18], [sflag:$0xD], $0x10, s29, s26, $0xb8;
	[tilespmem:$0x17F20] =	vst v63  }
0x5c: {  	_ =	swait.ge [sflag:s21], $0x1400  }
0x5d: {  	[sflag:s21] =	ssyncset.done $0x0  }
0x5e: {  	[sflag:s21] =	ssyncadd.s32 $0xFFFFEC00  }
0x5f: {  	[spmem:s3] =	stream.indirect.scatter.add.f32 [tilespmem:s14], [sflag:$0x8], $0x40, s29, s26, $0xb8;
	[tilespmem:$0x17F20] =	vst v63  }
0x60: {  	_ =	swait.ge [sflag:s30], $0x1400  }
0x61: {  	[sflag:s30] =	ssyncset.done $0x0  }
0x62: {  	[sflag:s30] =	ssyncadd.s32 $0xFFFFEC00  }
0x63: {  	_ =	swait.ge [sflag:s7], $0x500  }
0x64: {  	[sflag:s7] =	ssyncset.done $0x0  }
0x65: {  	s9 =	sadd.s32 @!p1 $0x1E0, s5;
	s13 =	simm.s32 @!p0 $0x6720;
	[sflag:s7] =	ssyncadd.s32 $0xFFFFFB00  }
0x66: {  	[tilespmem:s13], [sflag:$0x2] =	stream.indirect.gather @!p0 [hbm4b:s6+s10], $0x40, s9, s10, $0xb8;
	[tilespmem:$0x17F20] =	vst v63  }
0x67: {  	s31 =	sadd.s32 $0x2800, s12  }
0x68: {  	[spmem:s4] =	stream.indirect.scatter.add.f32 [tilespmem:s18], [sflag:$0xE], $0x10, s31, s26, $0xb8;
	[tilespmem:$0x17F20] =	vst v63  }
0x69: {  	_ =	swait.ge [sflag:s23], $0x1400  }
0x6a: {  	[sflag:s23] =	ssyncset.done $0x0  }
0x6b: {  	[sflag:s23] =	ssyncadd.s32 $0xFFFFEC00  }
0x6c: {  	[spmem:s3] =	stream.indirect.scatter.add.f32 [tilespmem:s16], [sflag:$0x9], $0x40, s31, s26, $0xb8;
	[tilespmem:$0x17F20] =	vst v63  }
0x6d: {  	_ =	swait.ge [sflag:s8], $0x1400  }
0x6e: {  	p2 =	por $0x0, $0x0;
	s13 =	simm.s32 $0x640;
	[sflag:s8] =	ssyncset.done $0x0  }
0x6f: {  	s9 =	sadd.s32 @!p1 $0x230, s5;
	p1 =	por $0x0, $0x0;
	[sflag:s8] =	ssyncadd.s32 $0xFFFFEC00  }
0x70: {  	s24 =	sadd.s32 $0x2850, s12;
	s13 =	simm.s32 @p1 $0x0;
	_ =	swait.ge [sflag:s11], $0x500  }
0x71: {  	s14 =	simm.s32 @!p0 $0x7B20;
	s22 =	sshra.s32 @!p1 s13, $0x2;
	[sflag:s11] =	ssyncset.done $0x0  }
0x72: {  	s5 =	simm.s32 $0xC80;
	s22 =	simm.s32 @p1 $0x0;
	[sflag:s11] =	ssyncadd.s32 $0xFFFFFB00  }
0x73: {  	[tilespmem:s14], [sflag:$0x3] =	stream.indirect.gather @!p0 [hbm4b:s6+s10], $0x40, s9, s10, $0xb8;
	[tilespmem:$0x17F20] =	vst v63  }
0x74: {  	s10 =	simm.s32 @!p1 $0x190;
	s9 =	sshra.s32 s13, $0x2;
	s14 =	sshra.s32 @!p2 s13, $0x2  }
0x75: {  	[spmem:s4] =	stream.indirect.scatter.add.f32 [tilespmem:s18], [sflag:$0xF], $0x10, s24, s26, $0xb8;
	[tilespmem:$0x17F20] =	vst v63  }
0x76: {  	p0 =	por p2, p2;
	s16 =	sadd.s32 @!p2 $0x190, s14;
	_ =	swait.ge [sflag:s25], $0x1400  }
0x77: {  	s13 =	sadd.s32 @!p2 $0x1E0, s14;
	s12 =	sadd.s32 @!p2 $0x230, s14;
	[sflag:s25] =	ssyncset.done $0x0  }
0x78: {  	s10 =	simm.s32 @p1 $0x0;
	p1 =	por p1, p1;
	[sflag:s25] =	ssyncadd.s32 $0xFFFFEC00  }
.LBB2_2:
0x79: {  	s20 =	simm.s32 $0xA320;
	s17 =	smov.u32 s5;
	s5 =	sadd.s32 $0x640, s5  }
0x7a: {  	[spmem:s3] =	stream.indirect.scatter.add.f32 [tilespmem:s20], [sflag:$0xA], $0x40, s24, s26, $0xb8;
	[tilespmem:$0x17F20] =	vst v63  }
0x7b: {  	s31 =	simm.s32 @!p1 $0xE;
	p4 =	seq.s32 s17, $0x0;
	s24 =	simm.s32 @!p1 $0x9  }
0x7c: {  	p3 =	seq.s32 s17, $0x9600;
	s29 =	sshra.s32 @!p4 s17, $0x2;
	_ =	swait.ge @!p1 [sflag:s24], $0x1400  }
0x7d: {  	p2 =	sne.s32 s5, $0x9C40;
	s17 =	simm.s32 @p4 $0x0;
	[sflag:s24] =	ssyncset.done @!p1 $0x0  }
0x7e: {  	s10 =	sadd.s32 $0xF0, s10;
	s14 =	sshra.s32 s17, $0x2;
	[sflag:s24] =	ssyncadd.s32 @!p1 $0xFFFFEC00  }
0x7f: {  	s2 =	sshra.s32 @!p4 s17, $0x2;
	s17 =	sshra.s32 @!p3 s17, $0x2;
	_ =	swait.ge @!p1 [sflag:s31], $0x500  }
0x80: {  	s28 =	sadd.s32 @!p3 $0x190, s17;
	s24 =	sadd.s32 @!p3 $0x1E0, s17;
	[sflag:s31] =	ssyncset.done @!p1 $0x0  }
0x81: {  	s19 =	simm.s32 $0x8F20;
	s17 =	sadd.s32 @!p3 $0x230, s17;
	[sflag:s31] =	ssyncadd.s32 @!p1 $0xFFFFFB00  }
0x82: {  	[tilespmem:s19], [sflag:$0x4] =	stream.indirect.gather [hbm4b:s6+s26], $0x40, s10, s26, $0xb8;
	[tilespmem:$0x17F20] =	vst v63  }
0x83: {  	s0 =	simm.s32 $0x1;
	s10 =	smov.u32 s29  }
0x84: {  	s2 =	simm.s32 @p4 $0x0;
	s29 =	sadd.s32 $0x2710, s9;
	s10 =	simm.s32 @p4 $0x0  }
0x85: {  	[spmem:s4] =	stream.indirect.scatter.add.f32 [tilespmem:s18], [sflag:$0xB], $0x10, s29, s26, $0xb8;
	[tilespmem:$0x17F20] =	vst v63  }
0x86: {  	_ =	swait.ge [sflag:s0], $0x1400  }
0x87: {  	[sflag:s0] =	ssyncset.done $0x0  }
0x88: {  	s31 =	simm.s32 @!p1 $0xA;
	[sflag:s0] =	ssyncadd.s32 $0xFFFFEC00;
	s0 =	simm.s32 $0x5320  }
0x89: {  	[spmem:s3] =	stream.indirect.scatter.add.f32 [tilespmem:s0], [sflag:$0x6], $0x40, s29, s26, $0xb8;
	[tilespmem:$0x17F20] =	vst v63  }
0x8a: {  	_ =	swait.ge @!p1 [sflag:s31], $0x1400  }
0x8b: {  	[sflag:s31] =	ssyncset.done @!p1 $0x0  }
0x8c: {  	s29 =	simm.s32 @!p1 $0xF;
	[sflag:s31] =	ssyncadd.s32 @!p1 $0xFFFFEC00  }
0x8d: {  	_ =	swait.ge @!p1 [sflag:s29], $0x500  }
0x8e: {  	[sflag:s29] =	ssyncset.done @!p1 $0x0  }
0x8f: {  	[sflag:s29] =	ssyncadd.s32 @!p1 $0xFFFFFB00;
	s29 =	sadd.s32 $0x140, s22;
	s22 =	smov.u32 s2  }
0x90: {  	[tilespmem:s20], [sflag:$0x5] =	stream.indirect.gather [hbm4b:s6+s26], $0x40, s29, s26, $0xb8;
	[tilespmem:$0x17F20] =	vst v63  }
0x91: {  	s0 =	simm.s32 $0x2;
	s2 =	sadd.s32 $0x2760, s9;
	p1 =	por p4, p4  }
0x92: {  	[spmem:s4] =	stream.indirect.scatter.add.f32 [tilespmem:s18], [sflag:$0xC], $0x10, s2, s26, $0xb8;
	[tilespmem:$0x17F20] =	vst v63  }
0x93: {  	_ =	swait.ge [sflag:s0], $0x1400  }
0x94: {  	[sflag:s0] =	ssyncset.done $0x0  }
0x95: {  	[sflag:s0] =	ssyncadd.s32 $0xFFFFEC00;
	s0 =	simm.s32 $0x6720  }
0x96: {  	[spmem:s3] =	stream.indirect.scatter.add.f32 [tilespmem:s0], [sflag:$0x7], $0x40, s2, s26, $0xb8;
	[tilespmem:$0x17F20] =	vst v63  }
0x97: {  	_ =	swait.ge [sflag:s1], $0x1400  }
0x98: {  	[sflag:s1] =	ssyncset.done $0x0  }
0x99: {  	[sflag:s1] =	ssyncadd.s32 $0xFFFFEC00  }
0x9a: {  	_ =	swait.ge [sflag:s15], $0x500  }
0x9b: {  	[sflag:s15] =	ssyncset.done $0x0  }
0x9c: {  	s29 =	simm.s32 @!p0 $0x5320;
	s2 =	simm.s32 @!p0 $0x50;
	[sflag:s15] =	ssyncadd.s32 $0xFFFFFB00  }
0x9d: {  	[tilespmem:s29], [sflag:$0x1] =	stream.indirect.gather @!p0 [hbm4b:s6+s2], $0x40, s16, s2, $0xb8;
	[tilespmem:$0x17F20] =	vst v63  }
0x9e: {  	s29 =	sadd.s32 $0x27B0, s9;
	s16 =	smov.u32 s28  }
0x9f: {  	[spmem:s4] =	stream.indirect.scatter.add.f32 [tilespmem:s18], [sflag:$0xD], $0x10, s29, s26, $0xb8;
	[tilespmem:$0x17F20] =	vst v63  }
0xa0: {  	_ =	swait.ge [sflag:s21], $0x1400  }
0xa1: {  	[sflag:s21] =	ssyncset.done $0x0  }
0xa2: {  	s0 =	simm.s32 $0x7B20;
	[sflag:s21] =	ssyncadd.s32 $0xFFFFEC00  }
0xa3: {  	[spmem:s3] =	stream.indirect.scatter.add.f32 [tilespmem:s0], [sflag:$0x8], $0x40, s29, s26, $0xb8;
	[tilespmem:$0x17F20] =	vst v63  }
0xa4: {  	_ =	swait.ge [sflag:s30], $0x1400  }
0xa5: {  	[sflag:s30] =	ssyncset.done $0x0  }
0xa6: {  	[sflag:s30] =	ssyncadd.s32 $0xFFFFEC00  }
0xa7: {  	_ =	swait.ge [sflag:s7], $0x500  }
0xa8: {  	[sflag:s7] =	ssyncset.done $0x0  }
0xa9: {  	s28 =	simm.s32 @!p0 $0x6720;
	[sflag:s7] =	ssyncadd.s32 $0xFFFFFB00  }
0xaa: {  	[tilespmem:s28], [sflag:$0x2] =	stream.indirect.gather @!p0 [hbm4b:s6+s2], $0x40, s13, s2, $0xb8;
	[tilespmem:$0x17F20] =	vst v63  }
0xab: {  	s28 =	sadd.s32 $0x2800, s9;
	s13 =	smov.u32 s24  }
0xac: {  	[spmem:s4] =	stream.indirect.scatter.add.f32 [tilespmem:s18], [sflag:$0xE], $0x10, s28, s26, $0xb8;
	[tilespmem:$0x17F20] =	vst v63  }
0xad: {  	_ =	swait.ge [sflag:s23], $0x1400  }
0xae: {  	[sflag:s23] =	ssyncset.done $0x0  }
0xaf: {  	[sflag:s23] =	ssyncadd.s32 $0xFFFFEC00  }
0xb0: {  	[spmem:s3] =	stream.indirect.scatter.add.f32 [tilespmem:s19], [sflag:$0x9], $0x40, s28, s26, $0xb8;
	[tilespmem:$0x17F20] =	vst v63  }
0xb1: {  	_ =	swait.ge [sflag:s8], $0x1400  }
0xb2: {  	[sflag:s8] =	ssyncset.done $0x0  }
0xb3: {  	[sflag:s8] =	ssyncadd.s32 $0xFFFFEC00  }
0xb4: {  	_ =	swait.ge [sflag:s11], $0x500  }
0xb5: {  	[sflag:s11] =	ssyncset.done $0x0  }
0xb6: {  	s24 =	simm.s32 @!p0 $0x7B20;
	[sflag:s11] =	ssyncadd.s32 $0xFFFFFB00  }
0xb7: {  	[tilespmem:s24], [sflag:$0x3] =	stream.indirect.gather @!p0 [hbm4b:s6+s2], $0x40, s12, s2, $0xb8;
	[tilespmem:$0x17F20] =	vst v63  }
.Ltmp0:
0xb8: {  	s24 =	sadd.s32 $0x2850, s9;
	s9 =	smov.u32 s14;
	(pc) =	sbr.rel @p2 .LBB2_2-.Ltmp0, $4  }
0xb9: {  	[spmem:s4] =	stream.indirect.scatter.add.f32 [tilespmem:s18], [sflag:$0xF], $0x10, s24, s26, $0xb8;
	[tilespmem:$0x17F20] =	vst v63  }
0xba: {  	s12 =	smov.u32 s17;
	p0 =	por p3, p3;
	_ =	swait.ge [sflag:s25], $0x1400  }
0xbb: {  	[sflag:s25] =	ssyncset.done $0x0  }
0xbc: {  	[sflag:s25] =	ssyncadd.s32 $0xFFFFEC00  }
0xbd: {  	s19 =	simm.s32 $0xA320;
	s2 =	simm.s32 @!p1 $0x9  }
0xbe: {  	[spmem:s3] =	stream.indirect.scatter.add.f32 [tilespmem:s19], [sflag:$0xA], $0x40, s24, s26, $0xb8;
	[tilespmem:$0x17F20] =	vst v63  }
0xbf: {  	_ =	swait.ge @!p1 [sflag:s2], $0x1400  }
0xc0: {  	[sflag:s2] =	ssyncset.done @!p1 $0x0  }
0xc1: {  	[sflag:s2] =	ssyncadd.s32 @!p1 $0xFFFFEC00;
	s2 =	simm.s32 @!p1 $0xE  }
0xc2: {  	_ =	swait.ge @!p1 [sflag:s2], $0x500  }
0xc3: {  	[sflag:s2] =	ssyncset.done @!p1 $0x0  }
0xc4: {  	s14 =	sadd.s32 $0xF0, s10;
	s17 =	simm.s32 $0x8F20;
	[sflag:s2] =	ssyncadd.s32 @!p1 $0xFFFFFB00  }
0xc5: {  	[tilespmem:s17], [sflag:$0x4] =	stream.indirect.gather [hbm4b:s6+s26], $0x40, s14, s26, $0xb8;
	[tilespmem:$0x17F20] =	vst v63  }
0xc6: {  	s20 =	sadd.s32 $0x2710, s9;
	s14 =	simm.s32 $0x1  }
0xc7: {  	[spmem:s4] =	stream.indirect.scatter.add.f32 [tilespmem:s18], [sflag:$0xB], $0x10, s20, s26, $0xb8;
	[tilespmem:$0x17F20] =	vst v63  }
0xc8: {  	_ =	swait.ge [sflag:s14], $0x1400  }
0xc9: {  	[sflag:s14] =	ssyncset.done $0x0  }
0xca: {  	s0 =	simm.s32 $0x5320;
	s2 =	simm.s32 @!p1 $0xA;
	[sflag:s14] =	ssyncadd.s32 $0xFFFFEC00  }
0xcb: {  	[spmem:s3] =	stream.indirect.scatter.add.f32 [tilespmem:s0], [sflag:$0x6], $0x40, s20, s26, $0xb8;
	[tilespmem:$0x17F20] =	vst v63  }
0xcc: {  	_ =	swait.ge @!p1 [sflag:s2], $0x1400  }
0xcd: {  	[sflag:s2] =	ssyncset.done @!p1 $0x0  }
0xce: {  	[sflag:s2] =	ssyncadd.s32 @!p1 $0xFFFFEC00;
	s2 =	simm.s32 @!p1 $0xF  }
0xcf: {  	_ =	swait.ge @!p1 [sflag:s2], $0x500  }
0xd0: {  	[sflag:s2] =	ssyncset.done @!p1 $0x0  }
0xd1: {  	s22 =	sadd.s32 $0x140, s22;
	[sflag:s2] =	ssyncadd.s32 @!p1 $0xFFFFFB00  }
0xd2: {  	[tilespmem:s19], [sflag:$0x5] =	stream.indirect.gather [hbm4b:s6+s26], $0x40, s22, s26, $0xb8;
	[tilespmem:$0x17F20] =	vst v63  }
0xd3: {  	s24 =	sadd.s32 $0x2760, s9;
	s20 =	simm.s32 $0x2  }
0xd4: {  	[spmem:s4] =	stream.indirect.scatter.add.f32 [tilespmem:s18], [sflag:$0xC], $0x10, s24, s26, $0xb8;
	[tilespmem:$0x17F20] =	vst v63  }
0xd5: {  	_ =	swait.ge [sflag:s20], $0x1400  }
0xd6: {  	[sflag:s20] =	ssyncset.done $0x0  }
0xd7: {  	s28 =	simm.s32 $0x6720;
	[sflag:s20] =	ssyncadd.s32 $0xFFFFEC00  }
0xd8: {  	[spmem:s3] =	stream.indirect.scatter.add.f32 [tilespmem:s28], [sflag:$0x7], $0x40, s24, s26, $0xb8;
	[tilespmem:$0x17F20] =	vst v63  }
0xd9: {  	_ =	swait.ge [sflag:s1], $0x1400  }
0xda: {  	[sflag:s1] =	ssyncset.done $0x0  }
0xdb: {  	[sflag:s1] =	ssyncadd.s32 $0xFFFFEC00  }
0xdc: {  	_ =	swait.ge [sflag:s15], $0x500  }
0xdd: {  	[sflag:s15] =	ssyncset.done $0x0  }
0xde: {  	s5 =	simm.s32 @!p0 $0x5320;
	s2 =	simm.s32 @!p0 $0x50;
	[sflag:s15] =	ssyncadd.s32 $0xFFFFFB00  }
0xdf: {  	[tilespmem:s5], [sflag:$0x1] =	stream.indirect.gather @!p0 [hbm4b:s6+s2], $0x40, s16, s2, $0xb8;
	[tilespmem:$0x17F20] =	vst v63  }
0xe0: {  	s29 =	sadd.s32 $0x27B0, s9  }
0xe1: {  	[spmem:s4] =	stream.indirect.scatter.add.f32 [tilespmem:s18], [sflag:$0xD], $0x10, s29, s26, $0xb8;
	[tilespmem:$0x17F20] =	vst v63  }
0xe2: {  	_ =	swait.ge [sflag:s21], $0x1400  }
0xe3: {  	[sflag:s21] =	ssyncset.done $0x0  }
0xe4: {  	s31 =	simm.s32 $0x7B20;
	[sflag:s21] =	ssyncadd.s32 $0xFFFFEC00  }
0xe5: {  	[spmem:s3] =	stream.indirect.scatter.add.f32 [tilespmem:s31], [sflag:$0x8], $0x40, s29, s26, $0xb8;
	[tilespmem:$0x17F20] =	vst v63  }
0xe6: {  	_ =	swait.ge [sflag:s30], $0x1400  }
0xe7: {  	[sflag:s30] =	ssyncset.done $0x0  }
0xe8: {  	[sflag:s30] =	ssyncadd.s32 $0xFFFFEC00  }
0xe9: {  	_ =	swait.ge [sflag:s7], $0x500  }
0xea: {  	[sflag:s7] =	ssyncset.done $0x0  }
0xeb: {  	s5 =	simm.s32 @!p0 $0x6720;
	[sflag:s7] =	ssyncadd.s32 $0xFFFFFB00  }
0xec: {  	[tilespmem:s5], [sflag:$0x2] =	stream.indirect.gather @!p0 [hbm4b:s6+s2], $0x40, s13, s2, $0xb8;
	[tilespmem:$0x17F20] =	vst v63  }
0xed: {  	s0 =	sadd.s32 $0x2800, s9  }
0xee: {  	[spmem:s4] =	stream.indirect.scatter.add.f32 [tilespmem:s18], [sflag:$0xE], $0x10, s0, s26, $0xb8;
	[tilespmem:$0x17F20] =	vst v63  }
0xef: {  	_ =	swait.ge [sflag:s23], $0x1400  }
0xf0: {  	[sflag:s23] =	ssyncset.done $0x0  }
0xf1: {  	[sflag:s23] =	ssyncadd.s32 $0xFFFFEC00  }
0xf2: {  	[spmem:s3] =	stream.indirect.scatter.add.f32 [tilespmem:s17], [sflag:$0x9], $0x40, s0, s26, $0xb8;
	[tilespmem:$0x17F20] =	vst v63  }
0xf3: {  	_ =	swait.ge [sflag:s8], $0x1400  }
0xf4: {  	[sflag:s8] =	ssyncset.done $0x0  }
0xf5: {  	[sflag:s8] =	ssyncadd.s32 $0xFFFFEC00  }
0xf6: {  	_ =	swait.ge [sflag:s11], $0x500  }
0xf7: {  	[sflag:s11] =	ssyncset.done $0x0  }
0xf8: {  	s5 =	simm.s32 @!p0 $0x7B20;
	[sflag:s11] =	ssyncadd.s32 $0xFFFFFB00  }
0xf9: {  	[tilespmem:s5], [sflag:$0x3] =	stream.indirect.gather @!p0 [hbm4b:s6+s2], $0x40, s12, s2, $0xb8;
	[tilespmem:$0x17F20] =	vst v63  }
0xfa: {  	s12 =	sadd.s32 $0x2850, s9  }
0xfb: {  	[spmem:s4] =	stream.indirect.scatter.add.f32 [tilespmem:s18], [sflag:$0xF], $0x10, s12, s26, $0xb8;
	[tilespmem:$0x17F20] =	vst v63  }
0xfc: {  	_ =	swait.ge [sflag:s25], $0x1400  }
0xfd: {  	[sflag:s25] =	ssyncset.done $0x0  }
0xfe: {  	s13 =	simm.s32 $0x9;
	[sflag:s25] =	ssyncadd.s32 $0xFFFFEC00  }
0xff: {  	[spmem:s3] =	stream.indirect.scatter.add.f32 [tilespmem:s19], [sflag:$0xA], $0x40, s12, s26, $0xb8;
	[tilespmem:$0x17F20] =	vst v63  }
0x100: {  	_ =	swait.ge [sflag:s13], $0x1400  }
0x101: {  	[sflag:s13] =	ssyncset.done $0x0  }
0x102: {  	s16 =	simm.s32 $0xE;
	[sflag:s13] =	ssyncadd.s32 $0xFFFFEC00  }
0x103: {  	_ =	swait.ge [sflag:s16], $0x500  }
0x104: {  	[sflag:s16] =	ssyncset.done $0x0  }
0x105: {  	s19 =	simm.s32 $0xA;
	[sflag:s16] =	ssyncadd.s32 $0xFFFFFB00  }
0x106: {  	_ =	swait.ge [sflag:s19], $0x1400  }
0x107: {  	[sflag:s19] =	ssyncset.done $0x0  }
0x108: {  	s22 =	simm.s32 $0xF;
	[sflag:s19] =	ssyncadd.s32 $0xFFFFEC00  }
0x109: {  	_ =	swait.ge [sflag:s22], $0x500  }
0x10a: {  	[sflag:s22] =	ssyncset.done $0x0  }
0x10b: {  	[sflag:s22] =	ssyncadd.s32 $0xFFFFFB00  }
0x10c: {  	[bflag:$0x0] =	sbarrier.arrive $0xFFFF  }
0x10d: {  	s10 =	rddreg [dreg:$0x8]  }
0x10e: {  	s12 =	rddreg [dreg:$0xc]  }
0x10f: {  	s24 =	rddreg [dreg:$0xf]  }
0x110: {  	[hbm:s24], [sflag:s10] =	dma.local [spmem:s12], $0x1400  }
0x111: {  	s2 =	rddreg [dreg:$0x7]  }
0x112: {  	s13 =	rddreg [dreg:$0xe]  }
0x113: {  	s28 =	rddreg [dreg:$0x10];
	s2 =	sor.u32 $0x1C02, s2  }
0x114: {  	[hbm:s28], [sflag:s2] =	dma.local [spmem:s13], $0x500  }
0x115: {  	_ =	swait.ge [sflag:s14], $0x1400  }
0x116: {  	[sflag:s14] =	ssyncset.done $0x0  }
0x117: {  	[sflag:s14] =	ssyncadd.s32 $0xFFFFEC00  }
0x118: {  	_ =	swait.ge [sflag:s20], $0x500  }
0x119: {  	s29 =	rddreg [dreg:$0x11]  }
0x11a: {  	s31 =	rddreg [dreg:$0xb];
	s0 =	sadd.s32 $0x1, s29  }
0x11b: {  	p0 =	sne.s32 s0, s31  }
.Ltmp1:
0x11c: {  	_ = 	snop;
	(pc) =	sbr.rel @p0 .LBB2_1-.Ltmp1, $3  }
0x11d: {  	_ =	sdelay $0x1  }
0x11e: {  	[sflag:s20] =	ssyncset.done $0x0  }
0x11f: {  	s17 =	simm.s32 $0xA320;
	[sflag:s20] =	ssyncadd.s32 $0xFFFFFB00  }
0x120: {  	_ =	sfence.sel $0x180000  }
0x121: {  	[bflag:$0x0] =	sbarrier.arrive $0xFFFF  }
0x122: {  	_ =	strace $0x90000047  }
0x123: {  	s0 =	stileid.u32;
	[bflag:$0x2] =	sbarrier.arrive $0xFFFF  }
0x124: {  	p0 =	sne.s32 s0, $0x0;
	s0 =	rddreg [dreg:$0x4]  }
0x125: {  	s0 =	sadd.s32 @!p0 $0x100000, s0  }
0x126: {  	[sflag:s0] =	ssyncadd.tile.s32 @!p0 $0x1;
	_ =	shalt  }
.Lfunc_end2:
_tile_overlayer_lowered:
.L_overlay_start_2:
0x127: {  	(tag) =	ssettag $0x2  }
0x128: {  	s0 =	rddreg [dreg:$0x0];
	s2 =	stileid.u32  }
0x129: {  	s1 =	rddreg [dreg:$0x1];
	p0 =	sne.s32 s2, $0x0  }
0x12a: {  	s3 =	rddreg [dreg:$0x2];
	[bflag:$0x3] =	sbarrier.arrive $0xFFFF;
	s2 =	simm.s32 @!p0 $0x1C10  }
0x12b: {  	[timem:s3], [sflag:s2] =	dma.local @!p0 [hbm:s0], s1  }
0x12c: {  	s0 =	simm.s32 @!p0 $0x10  }
0x12d: {  	_ =	swait.ge @!p0 [sflag:s0], s1  }
0x12e: {  	s1 =	ssub.s32 @!p0 $0x0, s1;
	[sflag:s0] =	ssyncset.done @!p0 $0x0  }
0x12f: {  	[sflag:s0] =	ssyncadd.s32 @!p0 s1  }
0x130: {  	[bflag:$0x3] =	sbarrier.arrive $0xFFFF  }
0x131: {  	_ =	shalt  }

</sc_bundles>
